<compile_context>
chip_gen: v7x
topology: tpu7x:2x2x1
jax: 0.10.2.dev20260603
libtpu: 0.0.44.dev20260713+nightly
codegen_flags: <defaults>
</compile_context>

<pallas_src>
import functools

import jax
import jax.numpy as jnp
from jax import lax
from jax.experimental import pallas as pl
from jax.experimental.pallas import tpu as pltpu
from jax.experimental.pallas import tpu_sc as plsc

_NUM_TYPES = 128
_N = 100000
_L = 16
_G = _N // _L
_NC = 2
_NS = 16
_NW = _NC * _NS
_GPW = _G // _NW
_EXTRA = _G - _GPW * _NW
_CG = 16
_CH_ROWS = _CG * _L
_CH_ELEMS = _CH_ROWS * _NUM_TYPES
_NB = 3
_NFULL = _GPW // _CG
_NROUND = _NFULL // _NB
_TG = _GPW + 1 - _NFULL * _CG
_TAIL_ELEMS = _TG * _L * _NUM_TYPES
_TYPES_BUF = (_GPW + 1) * _L


@functools.partial(
    pl.kernel,
    out_type=jax.ShapeDtypeStruct((_N * _NUM_TYPES,), jnp.float32),
    mesh=plsc.VectorSubcoreMesh(core_axis_name="c", subcore_axis_name="s"),
    scratch_types=[
        pltpu.VMEM((_TYPES_BUF,), jnp.int32),
        pltpu.VMEM((_CH_ELEMS,), jnp.float32),
        pltpu.VMEM((_CH_ELEMS,), jnp.float32),
        pltpu.VMEM((_CH_ELEMS,), jnp.float32),
        pltpu.SemaphoreType.DMA,
        pltpu.SemaphoreType.DMA,
        pltpu.SemaphoreType.DMA,
        pltpu.SemaphoreType.DMA,
    ],
    compiler_params=pltpu.CompilerParams(needs_layout_passes=False),
)
def _onehot_sc(types_hbm, out_hbm, t_v, buf_a, buf_b, buf_c,
               sem_a, sem_b, sem_c, sem_t):
    cid = lax.axis_index("c")
    sid = lax.axis_index("s")
    wid = (sid * _NC + cid).astype(jnp.int32)
    g0 = wid * _GPW + jnp.minimum(wid, _EXTRA)
    gc = _GPW + (wid < _EXTRA).astype(jnp.int32)

    off_adj = jnp.where(g0 * _L + _TYPES_BUF > _N, _L, 0).astype(jnp.int32)
    types_cp = pltpu.async_copy(
        types_hbm.at[pl.ds(g0 * _L - off_adj, _TYPES_BUF)], t_v, sem_t)

    zvec = jnp.zeros((_L,), jnp.float32)
    ones = jnp.ones((_L,), jnp.float32)
    lane_off = lax.iota(jnp.int32, _L) * _NUM_TYPES

    def zero_buf(buf):
        def body(i, _):
            base = i * (_L * 16)
            for k in range(16):
                buf[pl.ds(base + k * _L, _L)] = zvec
            return 0
        lax.fori_loop(0, _CH_ELEMS // (_L * 16), body, 0)

    def scatter_chunk(buf, cs, val, ng=_CG, unroll=4):
        def body(i, _):
            for k in range(unroll):
                g = i * unroll + k
                tv = t_v[pl.ds(off_adj + (cs + g) * _L, _L)]
                plsc.store_scatter(
                    buf, [lane_off + g * (_L * _NUM_TYPES) + tv], val)
            return 0
        lax.fori_loop(0, ng // unroll, body, 0)

    def out_at(rel_group, elems=_CH_ELEMS):
        return out_hbm.at[pl.ds((g0 + rel_group) * _L * _NUM_TYPES, elems)]

    bufs = (buf_a, buf_b, buf_c)
    sems = (sem_a, sem_b, sem_c)

    types_waited = False
    for b in range(_NB):
        zero_buf(bufs[b])
        if not types_waited:
            types_cp.wait()
            types_waited = True
        scatter_chunk(bufs[b], b * _CG, ones)
        pltpu.async_copy(bufs[b], out_at(b * _CG), sems[b])

    def round_body(r, _):
        for b in range(_NB):
            c = r * _NB + b
            pltpu.make_async_copy(bufs[b], out_at((c - _NB) * _CG),
                                  sems[b]).wait()
            scatter_chunk(bufs[b], (c - _NB) * _CG, zvec)
            scatter_chunk(bufs[b], c * _CG, ones)
            pltpu.async_copy(bufs[b], out_at(c * _CG), sems[b])
        return 0

    lax.fori_loop(1, _NROUND, round_body, 0)

    ts = gc - _TG
    pltpu.make_async_copy(bufs[0], out_at((_NFULL - _NB) * _CG),
                          sems[0]).wait()
    scatter_chunk(bufs[0], (_NFULL - _NB) * _CG, zvec)
    scatter_chunk(bufs[0], ts, ones, ng=_TG)
    tail_cp = pltpu.async_copy(
        bufs[0].at[pl.ds(0, _TAIL_ELEMS)],
        out_hbm.at[pl.ds((g0 + ts) * _L * _NUM_TYPES, _TAIL_ELEMS)],
        sems[0])
    pltpu.make_async_copy(bufs[1], out_at((_NFULL - 2) * _CG), sems[1]).wait()
    pltpu.make_async_copy(bufs[2], out_at((_NFULL - 1) * _CG), sems[2]).wait()
    tail_cp.wait()


def kernel(pos, atom_types):
    del pos
    flat = _onehot_sc(atom_types.reshape(-1))
    return flat.reshape(_N, _NUM_TYPES)

# --- scband reference (transcript-rebuilt; emitter-appended) ---
"""Pipeline reference for scband-one-hot-atom-encoding-2241972929169 (READ-ONLY COPY).

The authoritative reference and input builder live on the scoring server;
editing this copy changes nothing except your own understanding.
"""

import jax, jax.numpy as jnp
import numpy as np

NUM_TYPES = 128
N_ATOMS = 100000

def setup_inputs(seed: int = 0) -> dict:
    key = jax.random.key(seed)
    k1, k2 = jax.random.split(key)
    pos = jax.random.normal(k1, (N_ATOMS, 3), dtype=jnp.float32)
    atom_types = jax.random.randint(k2, (N_ATOMS, 1), 0, NUM_TYPES, dtype=jnp.int64 if jax.config.jax_enable_x64 else jnp.int32).astype(jnp.int32)
    return {"pos": pos, "atom_types": atom_types}

def reference(pos, atom_types):
    # Faithful translation of OneHotAtomEncoding.forward
    type_numbers = jnp.squeeze(atom_types, axis=-1)
    # torch.nn.functional.one_hot(type_numbers, num_classes=num_types).to(dtype=pos.dtype)
    node_attrs = jax.nn.one_hot(type_numbers, NUM_TYPES, dtype=pos.dtype)
    return node_attrs

if __name__ == "__main__":
    import jax
    _d = setup_inputs()
    print(jax.jit(kernel)(*tuple(_d.values())))

</pallas_src>

<mosaic_0001>
#map = affine_map<(d0, d1) -> (0)>
module attributes {stable_mosaic.version = 14 : i64} {
  func.func @_onehot_sc(%arg0: i32, %arg1: i32, %arg2: memref<100000xi32, #tpu.memory_space<hbm>>, %arg3: memref<12800000xf32, #tpu.memory_space<hbm>>, %arg4: memref<3136xi32, #tpu.memory_space<vmem>>, %arg5: memref<32768xf32, #tpu.memory_space<vmem>>, %arg6: memref<32768xf32, #tpu.memory_space<vmem>>, %arg7: memref<32768xf32, #tpu.memory_space<vmem>>, %arg8: memref<!tpu.dma_semaphore, #tpu.memory_space<semaphore_mem>>, %arg9: memref<!tpu.dma_semaphore, #tpu.memory_space<semaphore_mem>>, %arg10: memref<!tpu.dma_semaphore, #tpu.memory_space<semaphore_mem>>, %arg11: memref<!tpu.dma_semaphore, #tpu.memory_space<semaphore_mem>>) attributes {dimension_semantics = [#tpu.dimension_semantics<core_parallel>, #tpu.dimension_semantics<subcore_parallel>], iteration_bounds = array<i64: 2, 16>, scalar_prefetch = 0 : i64, scratch_operands = 8 : i64, tpu.core_type = #tpu.core_type<sc_vector_subcore>, window_params = [{transform_indices = #map}, {transform_indices = #map}]} {
    %mul3A = arith.constant 2 : i32
    %mul3A_0 = arith.muli %arg1, %mul3A : i32
    %add3A = arith.addi %mul3A_0, %arg0 : i32
    %mul3A_1 = arith.constant 195 : i32
    %mul3A_2 = arith.muli %add3A, %mul3A_1 : i32
    %min3A = arith.constant 10 : i32
    %min3A_3 = arith.minsi %add3A, %min3A : i32
    %add3A_4 = arith.addi %mul3A_2, %min3A_3 : i32
    %lt3A = arith.constant 10 : i32
    %lt3A_5 = arith.cmpi slt, %add3A, %lt3A : i32
    %convert_element_type3A = arith.extui %lt3A_5 : i1 to i32
    %add3A_6 = arith.constant 195 : i32
    %add3A_7 = arith.addi %add3A_6, %convert_element_type3A : i32
    %mul3A_8 = arith.constant 16 : i32
    %mul3A_9 = arith.muli %add3A_4, %mul3A_8 : i32
    %add3A_10 = arith.constant 3136 : i32
    %add3A_11 = arith.addi %mul3A_9, %add3A_10 : i32
    %gt3A = arith.constant 100000 : i32
    %gt3A_12 = arith.cmpi sgt, %add3A_11, %gt3A : i32
    %jit3A = arith.constant 16 : i32
    %jit3A_13 = arith.constant 0 : i32
    %select_n3A = arith.select %gt3A_12, %jit3A, %jit3A_13 : i32
    %mul3A_14 = arith.constant 16 : i32
    %mul3A_15 = arith.muli %add3A_4, %mul3A_14 : i32
    %sub3A = arith.subi %mul3A_15, %select_n3A : i32
    %dma_start3A = tpu.memref_slice %arg2[%sub3A] : memref<100000xi32, #tpu.memory_space<hbm>> -> memref<3136xi32, #tpu.memory_space<hbm>>
    %dma_start3A_16 = tpu.memref_slice %arg2[%sub3A] : memref<100000xi32, #tpu.memory_space<hbm>> -> memref<3136xi32, #tpu.memory_space<hbm>>
    tpu.enqueue_dma source(%dma_start3A_16 : memref<3136xi32, #tpu.memory_space<hbm>>) target(%arg4 : memref<3136xi32, #tpu.memory_space<vmem>>) target_semaphore(%arg11 : memref<!tpu.dma_semaphore, #tpu.memory_space<semaphore_mem>>)
    %broadcast_in_dim3A = arith.constant 0.000000e+00 : f32
    %broadcast_in_dim3A_17 = vector.broadcast %broadcast_in_dim3A : f32 to vector<16xf32>
    %broadcast_in_dim3A_18 = arith.constant 1.000000e+00 : f32
    %broadcast_in_dim3A_19 = vector.broadcast %broadcast_in_dim3A_18 : f32 to vector<16xf32>
    %iota3A = tpu.iota {dimensions = array<i32: 0>} : vector<16xi32>
    %mul3A_20 = arith.constant 128 : i32
    %mul3A_21 = vector.broadcast %mul3A_20 : i32 to vector<16xi32>
    %mul3A_22 = arith.muli %iota3A, %mul3A_21 : vector<16xi32>
    %scan3A = arith.constant 0 : i32
    %scan3A_23 = arith.constant 0 : i32
    %scan3A_24 = arith.constant 128 : i32
    %scan3A_25 = arith.addi %scan3A_23, %scan3A_24 : i32
    %scan3A_26 = arith.constant 1 : i32
    %scan3A_27 = scf.for %scan3A_209 = %scan3A_23 to %scan3A_25 step %scan3A_26 iter_args(%scan3A_210 = %scan3A) -> (i32)  : i32 {
      %mul3A_211 = arith.constant 256 : i32
      %mul3A_212 = arith.muli %scan3A_209, %mul3A_211 : i32
      %add3A_213 = arith.constant 0 : i32
      %add3A_214 = arith.addi %mul3A_212, %add3A_213 : i32
      %swap3A = arith.index_cast %add3A_214 : i32 to index
      %swap3A_215 = tpu.vector_load %arg5[%swap3A] {strides = array<i32>} : memref<32768xf32, #tpu.memory_space<vmem>>, vector<16xf32>,
      tpu.vector_store %arg5[%swap3A], %broadcast_in_dim3A_17 {strides = array<i32>} : memref<32768xf32, #tpu.memory_space<vmem>>, vector<16xf32>,
      %add3A_216 = arith.constant 16 : i32
      %add3A_217 = arith.addi %mul3A_212, %add3A_216 : i32
      %swap3A_218 = arith.index_cast %add3A_217 : i32 to index
      %swap3A_219 = tpu.vector_load %arg5[%swap3A_218] {strides = array<i32>} : memref<32768xf32, #tpu.memory_space<vmem>>, vector<16xf32>,
      tpu.vector_store %arg5[%swap3A_218], %broadcast_in_dim3A_17 {strides = array<i32>} : memref<32768xf32, #tpu.memory_space<vmem>>, vector<16xf32>,
      %add3A_220 = arith.constant 32 : i32
      %add3A_221 = arith.addi %mul3A_212, %add3A_220 : i32
      %swap3A_222 = arith.index_cast %add3A_221 : i32 to index
      %swap3A_223 = tpu.vector_load %arg5[%swap3A_222] {strides = array<i32>} : memref<32768xf32, #tpu.memory_space<vmem>>, vector<16xf32>,
      tpu.vector_store %arg5[%swap3A_222], %broadcast_in_dim3A_17 {strides = array<i32>} : memref<32768xf32, #tpu.memory_space<vmem>>, vector<16xf32>,
      %add3A_224 = arith.constant 48 : i32
      %add3A_225 = arith.addi %mul3A_212, %add3A_224 : i32
      %swap3A_226 = arith.index_cast %add3A_225 : i32 to index
      %swap3A_227 = tpu.vector_load %arg5[%swap3A_226] {strides = array<i32>} : memref<32768xf32, #tpu.memory_space<vmem>>, vector<16xf32>,
      tpu.vector_store %arg5[%swap3A_226], %broadcast_in_dim3A_17 {strides = array<i32>} : memref<32768xf32, #tpu.memory_space<vmem>>, vector<16xf32>,
      %add3A_228 = arith.constant 64 : i32
      %add3A_229 = arith.addi %mul3A_212, %add3A_228 : i32
      %swap3A_230 = arith.index_cast %add3A_229 : i32 to index
      %swap3A_231 = tpu.vector_load %arg5[%swap3A_230] {strides = array<i32>} : memref<32768xf32, #tpu.memory_space<vmem>>, vector<16xf32>,
      tpu.vector_store %arg5[%swap3A_230], %broadcast_in_dim3A_17 {strides = array<i32>} : memref<32768xf32, #tpu.memory_space<vmem>>, vector<16xf32>,
      %add3A_232 = arith.constant 80 : i32
      %add3A_233 = arith.addi %mul3A_212, %add3A_232 : i32
      %swap3A_234 = arith.index_cast %add3A_233 : i32 to index
      %swap3A_235 = tpu.vector_load %arg5[%swap3A_234] {strides = array<i32>} : memref<32768xf32, #tpu.memory_space<vmem>>, vector<16xf32>,
      tpu.vector_store %arg5[%swap3A_234], %broadcast_in_dim3A_17 {strides = array<i32>} : memref<32768xf32, #tpu.memory_space<vmem>>, vector<16xf32>,
      %add3A_236 = arith.constant 96 : i32
      %add3A_237 = arith.addi %mul3A_212, %add3A_236 : i32
      %swap3A_238 = arith.index_cast %add3A_237 : i32 to index
      %swap3A_239 = tpu.vector_load %arg5[%swap3A_238] {strides = array<i32>} : memref<32768xf32, #tpu.memory_space<vmem>>, vector<16xf32>,
      tpu.vector_store %arg5[%swap3A_238], %broadcast_in_dim3A_17 {strides = array<i32>} : memref<32768xf32, #tpu.memory_space<vmem>>, vector<16xf32>,
      %add3A_240 = arith.constant 112 : i32
      %add3A_241 = arith.addi %mul3A_212, %add3A_240 : i32
      %swap3A_242 = arith.index_cast %add3A_241 : i32 to index
      %swap3A_243 = tpu.vector_load %arg5[%swap3A_242] {strides = array<i32>} : memref<32768xf32, #tpu.memory_space<vmem>>, vector<16xf32>,
      tpu.vector_store %arg5[%swap3A_242], %broadcast_in_dim3A_17 {strides = array<i32>} : memref<32768xf32, #tpu.memory_space<vmem>>, vector<16xf32>,
      %add3A_244 = arith.constant 128 : i32
      %add3A_245 = arith.addi %mul3A_212, %add3A_244 : i32
      %swap3A_246 = arith.index_cast %add3A_245 : i32 to index
      %swap3A_247 = tpu.vector_load %arg5[%swap3A_246] {strides = array<i32>} : memref<32768xf32, #tpu.memory_space<vmem>>, vector<16xf32>,
      tpu.vector_store %arg5[%swap3A_246], %broadcast_in_dim3A_17 {strides = array<i32>} : memref<32768xf32, #tpu.memory_space<vmem>>, vector<16xf32>,
      %add3A_248 = arith.constant 144 : i32
      %add3A_249 = arith.addi %mul3A_212, %add3A_248 : i32
      %swap3A_250 = arith.index_cast %add3A_249 : i32 to index
      %swap3A_251 = tpu.vector_load %arg5[%swap3A_250] {strides = array<i32>} : memref<32768xf32, #tpu.memory_space<vmem>>, vector<16xf32>,
      tpu.vector_store %arg5[%swap3A_250], %broadcast_in_dim3A_17 {strides = array<i32>} : memref<32768xf32, #tpu.memory_space<vmem>>, vector<16xf32>,
      %add3A_252 = arith.constant 160 : i32
      %add3A_253 = arith.addi %mul3A_212, %add3A_252 : i32
      %swap3A_254 = arith.index_cast %add3A_253 : i32 to index
      %swap3A_255 = tpu.vector_load %arg5[%swap3A_254] {strides = array<i32>} : memref<32768xf32, #tpu.memory_space<vmem>>, vector<16xf32>,
      tpu.vector_store %arg5[%swap3A_254], %broadcast_in_dim3A_17 {strides = array<i32>} : memref<32768xf32, #tpu.memory_space<vmem>>, vector<16xf32>,
      %add3A_256 = arith.constant 176 : i32
      %add3A_257 = arith.addi %mul3A_212, %add3A_256 : i32
      %swap3A_258 = arith.index_cast %add3A_257 : i32 to index
      %swap3A_259 = tpu.vector_load %arg5[%swap3A_258] {strides = array<i32>} : memref<32768xf32, #tpu.memory_space<vmem>>, vector<16xf32>,
      tpu.vector_store %arg5[%swap3A_258], %broadcast_in_dim3A_17 {strides = array<i32>} : memref<32768xf32, #tpu.memory_space<vmem>>, vector<16xf32>,
      %add3A_260 = arith.constant 192 : i32
      %add3A_261 = arith.addi %mul3A_212, %add3A_260 : i32
      %swap3A_262 = arith.index_cast %add3A_261 : i32 to index
      %swap3A_263 = tpu.vector_load %arg5[%swap3A_262] {strides = array<i32>} : memref<32768xf32, #tpu.memory_space<vmem>>, vector<16xf32>,
      tpu.vector_store %arg5[%swap3A_262], %broadcast_in_dim3A_17 {strides = array<i32>} : memref<32768xf32, #tpu.memory_space<vmem>>, vector<16xf32>,
      %add3A_264 = arith.constant 208 : i32
      %add3A_265 = arith.addi %mul3A_212, %add3A_264 : i32
      %swap3A_266 = arith.index_cast %add3A_265 : i32 to index
      %swap3A_267 = tpu.vector_load %arg5[%swap3A_266] {strides = array<i32>} : memref<32768xf32, #tpu.memory_space<vmem>>, vector<16xf32>,
      tpu.vector_store %arg5[%swap3A_266], %broadcast_in_dim3A_17 {strides = array<i32>} : memref<32768xf32, #tpu.memory_space<vmem>>, vector<16xf32>,
      %add3A_268 = arith.constant 224 : i32
      %add3A_269 = arith.addi %mul3A_212, %add3A_268 : i32
      %swap3A_270 = arith.index_cast %add3A_269 : i32 to index
      %swap3A_271 = tpu.vector_load %arg5[%swap3A_270] {strides = array<i32>} : memref<32768xf32, #tpu.memory_space<vmem>>, vector<16xf32>,
      tpu.vector_store %arg5[%swap3A_270], %broadcast_in_dim3A_17 {strides = array<i32>} : memref<32768xf32, #tpu.memory_space<vmem>>, vector<16xf32>,
      %add3A_272 = arith.constant 240 : i32
      %add3A_273 = arith.addi %mul3A_212, %add3A_272 : i32
      %swap3A_274 = arith.index_cast %add3A_273 : i32 to index
      %swap3A_275 = tpu.vector_load %arg5[%swap3A_274] {strides = array<i32>} : memref<32768xf32, #tpu.memory_space<vmem>>, vector<16xf32>,
      tpu.vector_store %arg5[%swap3A_274], %broadcast_in_dim3A_17 {strides = array<i32>} : memref<32768xf32, #tpu.memory_space<vmem>>, vector<16xf32>,
      %scan3A_276 = arith.constant 0 : i32
      scf.yield %scan3A_276 : i32
    }
    %scan3A_28 = arith.constant 128 : i32
    %dma_wait3A = tpu.memref_slice %arg2[%sub3A] : memref<100000xi32, #tpu.memory_space<hbm>> -> memref<3136xi32, #tpu.memory_space<hbm>>
    %dma_wait3A_29 = tpu.memref_slice %arg2[%sub3A] : memref<100000xi32, #tpu.memory_space<hbm>> -> memref<3136xi32, #tpu.memory_space<hbm>>
    tpu.wait_dma2 semaphore(%arg11 : memref<!tpu.dma_semaphore, #tpu.memory_space<semaphore_mem>>) src(%dma_wait3A_29 : memref<3136xi32, #tpu.memory_space<hbm>>) dst(%arg4 : memref<3136xi32, #tpu.memory_space<vmem>>)
    %scan3A_30 = arith.constant 0 : i32
    %scan3A_31 = arith.constant 0 : i32
    %scan3A_32 = arith.constant 4 : i32
    %scan3A_33 = arith.addi %scan3A_31, %scan3A_32 : i32
    %scan3A_34 = arith.constant 1 : i32
    %scan3A_35 = scf.for %scan3A_209 = %scan3A_31 to %scan3A_33 step %scan3A_34 iter_args(%scan3A_210 = %scan3A_30) -> (i32)  : i32 {
      %mul3A_211 = arith.constant 4 : i32
      %mul3A_212 = arith.muli %scan3A_209, %mul3A_211 : i32
      %add3A_213 = arith.constant 0 : i32
      %add3A_214 = arith.addi %mul3A_212, %add3A_213 : i32
      %add3A_215 = arith.constant 0 : i32
      %add3A_216 = arith.addi %add3A_215, %add3A_214 : i32
      %mul3A_217 = arith.constant 16 : i32
      %mul3A_218 = arith.muli %add3A_216, %mul3A_217 : i32
      %add3A_219 = arith.addi %select_n3A, %mul3A_218 : i32
      %get3A_220 = arith.index_cast %add3A_219 : i32 to index
      %get3A_221 = tpu.vector_load %arg4[%get3A_220] {strides = array<i32>} : memref<3136xi32, #tpu.memory_space<vmem>>, vector<16xi32>,
      %mul3A_222 = arith.constant 2048 : i32
      %mul3A_223 = arith.muli %add3A_214, %mul3A_222 : i32
      %add3A_224 = vector.broadcast %mul3A_223 : i32 to vector<16xi32>
      %add3A_225 = arith.addi %mul3A_22, %add3A_224 : vector<16xi32>
      %add3A_226 = arith.addi %add3A_225, %get3A_221 : vector<16xi32>
      tpu.vector_store_idx %arg5[%add3A_226], %broadcast_in_dim3A_19 : memref<32768xf32, #tpu.memory_space<vmem>>[vector<16xi32>], vector<16xf32>,
      %mul3A_227 = arith.constant 4 : i32
      %mul3A_228 = arith.muli %scan3A_209, %mul3A_227 : i32
      %add3A_229 = arith.constant 1 : i32
      %add3A_230 = arith.addi %mul3A_228, %add3A_229 : i32
      %add3A_231 = arith.constant 0 : i32
      %add3A_232 = arith.addi %add3A_231, %add3A_230 : i32
      %mul3A_233 = arith.constant 16 : i32
      %mul3A_234 = arith.muli %add3A_232, %mul3A_233 : i32
      %add3A_235 = arith.addi %select_n3A, %mul3A_234 : i32
      %get3A_236 = arith.index_cast %add3A_235 : i32 to index
      %get3A_237 = tpu.vector_load %arg4[%get3A_236] {strides = array<i32>} : memref<3136xi32, #tpu.memory_space<vmem>>, vector<16xi32>,
      %mul3A_238 = arith.constant 2048 : i32
      %mul3A_239 = arith.muli %add3A_230, %mul3A_238 : i32
      %add3A_240 = vector.broadcast %mul3A_239 : i32 to vector<16xi32>
      %add3A_241 = arith.addi %mul3A_22, %add3A_240 : vector<16xi32>
      %add3A_242 = arith.addi %add3A_241, %get3A_237 : vector<16xi32>
      tpu.vector_store_idx %arg5[%add3A_242], %broadcast_in_dim3A_19 : memref<32768xf32, #tpu.memory_space<vmem>>[vector<16xi32>], vector<16xf32>,
      %mul3A_243 = arith.constant 4 : i32
      %mul3A_244 = arith.muli %scan3A_209, %mul3A_243 : i32
      %add3A_245 = arith.constant 2 : i32
      %add3A_246 = arith.addi %mul3A_244, %add3A_245 : i32
      %add3A_247 = arith.constant 0 : i32
      %add3A_248 = arith.addi %add3A_247, %add3A_246 : i32
      %mul3A_249 = arith.constant 16 : i32
      %mul3A_250 = arith.muli %add3A_248, %mul3A_249 : i32
      %add3A_251 = arith.addi %select_n3A, %mul3A_250 : i32
      %get3A_252 = arith.index_cast %add3A_251 : i32 to index
      %get3A_253 = tpu.vector_load %arg4[%get3A_252] {strides = array<i32>} : memref<3136xi32, #tpu.memory_space<vmem>>, vector<16xi32>,
      %mul3A_254 = arith.constant 2048 : i32
      %mul3A_255 = arith.muli %add3A_246, %mul3A_254 : i32
      %add3A_256 = vector.broadcast %mul3A_255 : i32 to vector<16xi32>
      %add3A_257 = arith.addi %mul3A_22, %add3A_256 : vector<16xi32>
      %add3A_258 = arith.addi %add3A_257, %get3A_253 : vector<16xi32>
      tpu.vector_store_idx %arg5[%add3A_258], %broadcast_in_dim3A_19 : memref<32768xf32, #tpu.memory_space<vmem>>[vector<16xi32>], vector<16xf32>,
      %mul3A_259 = arith.constant 4 : i32
      %mul3A_260 = arith.muli %scan3A_209, %mul3A_259 : i32
      %add3A_261 = arith.constant 3 : i32
      %add3A_262 = arith.addi %mul3A_260, %add3A_261 : i32
      %add3A_263 = arith.constant 0 : i32
      %add3A_264 = arith.addi %add3A_263, %add3A_262 : i32
      %mul3A_265 = arith.constant 16 : i32
      %mul3A_266 = arith.muli %add3A_264, %mul3A_265 : i32
      %add3A_267 = arith.addi %select_n3A, %mul3A_266 : i32
      %get3A_268 = arith.index_cast %add3A_267 : i32 to index
      %get3A_269 = tpu.vector_load %arg4[%get3A_268] {strides = array<i32>} : memref<3136xi32, #tpu.memory_space<vmem>>, vector<16xi32>,
      %mul3A_270 = arith.constant 2048 : i32
      %mul3A_271 = arith.muli %add3A_262, %mul3A_270 : i32
      %add3A_272 = vector.broadcast %mul3A_271 : i32 to vector<16xi32>
      %add3A_273 = arith.addi %mul3A_22, %add3A_272 : vector<16xi32>
      %add3A_274 = arith.addi %add3A_273, %get3A_269 : vector<16xi32>
      tpu.vector_store_idx %arg5[%add3A_274], %broadcast_in_dim3A_19 : memref<32768xf32, #tpu.memory_space<vmem>>[vector<16xi32>], vector<16xf32>,
      %scan3A_275 = arith.constant 0 : i32
      scf.yield %scan3A_275 : i32
    }
    %scan3A_36 = arith.constant 4 : i32
    %add3A_37 = arith.constant 0 : i32
    %add3A_38 = arith.addi %add3A_4, %add3A_37 : i32
    %mul3A_39 = arith.constant 16 : i32
    %mul3A_40 = arith.muli %add3A_38, %mul3A_39 : i32
    %mul3A_41 = arith.constant 128 : i32
    %mul3A_42 = arith.muli %mul3A_40, %mul3A_41 : i32
    %dma_start3A_43 = tpu.memref_slice %arg3[%mul3A_42] : memref<12800000xf32, #tpu.memory_space<hbm>> -> memref<32768xf32, #tpu.memory_space<hbm>>
    %dma_start3A_44 = tpu.memref_slice %arg3[%mul3A_42] : memref<12800000xf32, #tpu.memory_space<hbm>> -> memref<32768xf32, #tpu.memory_space<hbm>>
    tpu.enqueue_dma source(%arg5 : memref<32768xf32, #tpu.memory_space<vmem>>) target(%dma_start3A_44 : memref<32768xf32, #tpu.memory_space<hbm>>) target_semaphore(%arg8 : memref<!tpu.dma_semaphore, #tpu.memory_space<semaphore_mem>>)
    %scan3A_45 = arith.constant 0 : i32
    %scan3A_46 = arith.constant 0 : i32
    %scan3A_47 = arith.constant 128 : i32
    %scan3A_48 = arith.addi %scan3A_46, %scan3A_47 : i32
    %scan3A_49 = arith.constant 1 : i32
    %scan3A_50 = scf.for %scan3A_209 = %scan3A_46 to %scan3A_48 step %scan3A_49 iter_args(%scan3A_210 = %scan3A_45) -> (i32)  : i32 {
      %mul3A_211 = arith.constant 256 : i32
      %mul3A_212 = arith.muli %scan3A_209, %mul3A_211 : i32
      %add3A_213 = arith.constant 0 : i32
      %add3A_214 = arith.addi %mul3A_212, %add3A_213 : i32
      %swap3A = arith.index_cast %add3A_214 : i32 to index
      %swap3A_215 = tpu.vector_load %arg6[%swap3A] {strides = array<i32>} : memref<32768xf32, #tpu.memory_space<vmem>>, vector<16xf32>,
      tpu.vector_store %arg6[%swap3A], %broadcast_in_dim3A_17 {strides = array<i32>} : memref<32768xf32, #tpu.memory_space<vmem>>, vector<16xf32>,
      %add3A_216 = arith.constant 16 : i32
      %add3A_217 = arith.addi %mul3A_212, %add3A_216 : i32
      %swap3A_218 = arith.index_cast %add3A_217 : i32 to index
      %swap3A_219 = tpu.vector_load %arg6[%swap3A_218] {strides = array<i32>} : memref<32768xf32, #tpu.memory_space<vmem>>, vector<16xf32>,
      tpu.vector_store %arg6[%swap3A_218], %broadcast_in_dim3A_17 {strides = array<i32>} : memref<32768xf32, #tpu.memory_space<vmem>>, vector<16xf32>,
      %add3A_220 = arith.constant 32 : i32
      %add3A_221 = arith.addi %mul3A_212, %add3A_220 : i32
      %swap3A_222 = arith.index_cast %add3A_221 : i32 to index
      %swap3A_223 = tpu.vector_load %arg6[%swap3A_222] {strides = array<i32>} : memref<32768xf32, #tpu.memory_space<vmem>>, vector<16xf32>,
      tpu.vector_store %arg6[%swap3A_222], %broadcast_in_dim3A_17 {strides = array<i32>} : memref<32768xf32, #tpu.memory_space<vmem>>, vector<16xf32>,
      %add3A_224 = arith.constant 48 : i32
      %add3A_225 = arith.addi %mul3A_212, %add3A_224 : i32
      %swap3A_226 = arith.index_cast %add3A_225 : i32 to index
      %swap3A_227 = tpu.vector_load %arg6[%swap3A_226] {strides = array<i32>} : memref<32768xf32, #tpu.memory_space<vmem>>, vector<16xf32>,
      tpu.vector_store %arg6[%swap3A_226], %broadcast_in_dim3A_17 {strides = array<i32>} : memref<32768xf32, #tpu.memory_space<vmem>>, vector<16xf32>,
      %add3A_228 = arith.constant 64 : i32
      %add3A_229 = arith.addi %mul3A_212, %add3A_228 : i32
      %swap3A_230 = arith.index_cast %add3A_229 : i32 to index
      %swap3A_231 = tpu.vector_load %arg6[%swap3A_230] {strides = array<i32>} : memref<32768xf32, #tpu.memory_space<vmem>>, vector<16xf32>,
      tpu.vector_store %arg6[%swap3A_230], %broadcast_in_dim3A_17 {strides = array<i32>} : memref<32768xf32, #tpu.memory_space<vmem>>, vector<16xf32>,
      %add3A_232 = arith.constant 80 : i32
      %add3A_233 = arith.addi %mul3A_212, %add3A_232 : i32
      %swap3A_234 = arith.index_cast %add3A_233 : i32 to index
      %swap3A_235 = tpu.vector_load %arg6[%swap3A_234] {strides = array<i32>} : memref<32768xf32, #tpu.memory_space<vmem>>, vector<16xf32>,
      tpu.vector_store %arg6[%swap3A_234], %broadcast_in_dim3A_17 {strides = array<i32>} : memref<32768xf32, #tpu.memory_space<vmem>>, vector<16xf32>,
      %add3A_236 = arith.constant 96 : i32
      %add3A_237 = arith.addi %mul3A_212, %add3A_236 : i32
      %swap3A_238 = arith.index_cast %add3A_237 : i32 to index
      %swap3A_239 = tpu.vector_load %arg6[%swap3A_238] {strides = array<i32>} : memref<32768xf32, #tpu.memory_space<vmem>>, vector<16xf32>,
      tpu.vector_store %arg6[%swap3A_238], %broadcast_in_dim3A_17 {strides = array<i32>} : memref<32768xf32, #tpu.memory_space<vmem>>, vector<16xf32>,
      %add3A_240 = arith.constant 112 : i32
      %add3A_241 = arith.addi %mul3A_212, %add3A_240 : i32
      %swap3A_242 = arith.index_cast %add3A_241 : i32 to index
      %swap3A_243 = tpu.vector_load %arg6[%swap3A_242] {strides = array<i32>} : memref<32768xf32, #tpu.memory_space<vmem>>, vector<16xf32>,
      tpu.vector_store %arg6[%swap3A_242], %broadcast_in_dim3A_17 {strides = array<i32>} : memref<32768xf32, #tpu.memory_space<vmem>>, vector<16xf32>,
      %add3A_244 = arith.constant 128 : i32
      %add3A_245 = arith.addi %mul3A_212, %add3A_244 : i32
      %swap3A_246 = arith.index_cast %add3A_245 : i32 to index
      %swap3A_247 = tpu.vector_load %arg6[%swap3A_246] {strides = array<i32>} : memref<32768xf32, #tpu.memory_space<vmem>>, vector<16xf32>,
      tpu.vector_store %arg6[%swap3A_246], %broadcast_in_dim3A_17 {strides = array<i32>} : memref<32768xf32, #tpu.memory_space<vmem>>, vector<16xf32>,
      %add3A_248 = arith.constant 144 : i32
      %add3A_249 = arith.addi %mul3A_212, %add3A_248 : i32
      %swap3A_250 = arith.index_cast %add3A_249 : i32 to index
      %swap3A_251 = tpu.vector_load %arg6[%swap3A_250] {strides = array<i32>} : memref<32768xf32, #tpu.memory_space<vmem>>, vector<16xf32>,
      tpu.vector_store %arg6[%swap3A_250], %broadcast_in_dim3A_17 {strides = array<i32>} : memref<32768xf32, #tpu.memory_space<vmem>>, vector<16xf32>,
      %add3A_252 = arith.constant 160 : i32
      %add3A_253 = arith.addi %mul3A_212, %add3A_252 : i32
      %swap3A_254 = arith.index_cast %add3A_253 : i32 to index
      %swap3A_255 = tpu.vector_load %arg6[%swap3A_254] {strides = array<i32>} : memref<32768xf32, #tpu.memory_space<vmem>>, vector<16xf32>,
      tpu.vector_store %arg6[%swap3A_254], %broadcast_in_dim3A_17 {strides = array<i32>} : memref<32768xf32, #tpu.memory_space<vmem>>, vector<16xf32>,
      %add3A_256 = arith.constant 176 : i32
      %add3A_257 = arith.addi %mul3A_212, %add3A_256 : i32
      %swap3A_258 = arith.index_cast %add3A_257 : i32 to index
      %swap3A_259 = tpu.vector_load %arg6[%swap3A_258] {strides = array<i32>} : memref<32768xf32, #tpu.memory_space<vmem>>, vector<16xf32>,
      tpu.vector_store %arg6[%swap3A_258], %broadcast_in_dim3A_17 {strides = array<i32>} : memref<32768xf32, #tpu.memory_space<vmem>>, vector<16xf32>,
      %add3A_260 = arith.constant 192 : i32
      %add3A_261 = arith.addi %mul3A_212, %add3A_260 : i32
      %swap3A_262 = arith.index_cast %add3A_261 : i32 to index
      %swap3A_263 = tpu.vector_load %arg6[%swap3A_262] {strides = array<i32>} : memref<32768xf32, #tpu.memory_space<vmem>>, vector<16xf32>,
      tpu.vector_store %arg6[%swap3A_262], %broadcast_in_dim3A_17 {strides = array<i32>} : memref<32768xf32, #tpu.memory_space<vmem>>, vector<16xf32>,
      %add3A_264 = arith.constant 208 : i32
      %add3A_265 = arith.addi %mul3A_212, %add3A_264 : i32
      %swap3A_266 = arith.index_cast %add3A_265 : i32 to index
      %swap3A_267 = tpu.vector_load %arg6[%swap3A_266] {strides = array<i32>} : memref<32768xf32, #tpu.memory_space<vmem>>, vector<16xf32>,
      tpu.vector_store %arg6[%swap3A_266], %broadcast_in_dim3A_17 {strides = array<i32>} : memref<32768xf32, #tpu.memory_space<vmem>>, vector<16xf32>,
      %add3A_268 = arith.constant 224 : i32
      %add3A_269 = arith.addi %mul3A_212, %add3A_268 : i32
      %swap3A_270 = arith.index_cast %add3A_269 : i32 to index
      %swap3A_271 = tpu.vector_load %arg6[%swap3A_270] {strides = array<i32>} : memref<32768xf32, #tpu.memory_space<vmem>>, vector<16xf32>,
      tpu.vector_store %arg6[%swap3A_270], %broadcast_in_dim3A_17 {strides = array<i32>} : memref<32768xf32, #tpu.memory_space<vmem>>, vector<16xf32>,
      %add3A_272 = arith.constant 240 : i32
      %add3A_273 = arith.addi %mul3A_212, %add3A_272 : i32
      %swap3A_274 = arith.index_cast %add3A_273 : i32 to index
      %swap3A_275 = tpu.vector_load %arg6[%swap3A_274] {strides = array<i32>} : memref<32768xf32, #tpu.memory_space<vmem>>, vector<16xf32>,
      tpu.vector_store %arg6[%swap3A_274], %broadcast_in_dim3A_17 {strides = array<i32>} : memref<32768xf32, #tpu.memory_space<vmem>>, vector<16xf32>,
      %scan3A_276 = arith.constant 0 : i32
      scf.yield %scan3A_276 : i32
    }
    %scan3A_51 = arith.constant 128 : i32
    %scan3A_52 = arith.constant 0 : i32
    %scan3A_53 = arith.constant 0 : i32
    %scan3A_54 = arith.constant 4 : i32
    %scan3A_55 = arith.addi %scan3A_53, %scan3A_54 : i32
    %scan3A_56 = arith.constant 1 : i32
    %scan3A_57 = scf.for %scan3A_209 = %scan3A_53 to %scan3A_55 step %scan3A_56 iter_args(%scan3A_210 = %scan3A_52) -> (i32)  : i32 {
      %mul3A_211 = arith.constant 4 : i32
      %mul3A_212 = arith.muli %scan3A_209, %mul3A_211 : i32
      %add3A_213 = arith.constant 0 : i32
      %add3A_214 = arith.addi %mul3A_212, %add3A_213 : i32
      %add3A_215 = arith.constant 16 : i32
      %add3A_216 = arith.addi %add3A_215, %add3A_214 : i32
      %mul3A_217 = arith.constant 16 : i32
      %mul3A_218 = arith.muli %add3A_216, %mul3A_217 : i32
      %add3A_219 = arith.addi %select_n3A, %mul3A_218 : i32
      %get3A_220 = arith.index_cast %add3A_219 : i32 to index
      %get3A_221 = tpu.vector_load %arg4[%get3A_220] {strides = array<i32>} : memref<3136xi32, #tpu.memory_space<vmem>>, vector<16xi32>,
      %mul3A_222 = arith.constant 2048 : i32
      %mul3A_223 = arith.muli %add3A_214, %mul3A_222 : i32
      %add3A_224 = vector.broadcast %mul3A_223 : i32 to vector<16xi32>
      %add3A_225 = arith.addi %mul3A_22, %add3A_224 : vector<16xi32>
      %add3A_226 = arith.addi %add3A_225, %get3A_221 : vector<16xi32>
      tpu.vector_store_idx %arg6[%add3A_226], %broadcast_in_dim3A_19 : memref<32768xf32, #tpu.memory_space<vmem>>[vector<16xi32>], vector<16xf32>,
      %mul3A_227 = arith.constant 4 : i32
      %mul3A_228 = arith.muli %scan3A_209, %mul3A_227 : i32
      %add3A_229 = arith.constant 1 : i32
      %add3A_230 = arith.addi %mul3A_228, %add3A_229 : i32
      %add3A_231 = arith.constant 16 : i32
      %add3A_232 = arith.addi %add3A_231, %add3A_230 : i32
      %mul3A_233 = arith.constant 16 : i32
      %mul3A_234 = arith.muli %add3A_232, %mul3A_233 : i32
      %add3A_235 = arith.addi %select_n3A, %mul3A_234 : i32
      %get3A_236 = arith.index_cast %add3A_235 : i32 to index
      %get3A_237 = tpu.vector_load %arg4[%get3A_236] {strides = array<i32>} : memref<3136xi32, #tpu.memory_space<vmem>>, vector<16xi32>,
      %mul3A_238 = arith.constant 2048 : i32
      %mul3A_239 = arith.muli %add3A_230, %mul3A_238 : i32
      %add3A_240 = vector.broadcast %mul3A_239 : i32 to vector<16xi32>
      %add3A_241 = arith.addi %mul3A_22, %add3A_240 : vector<16xi32>
      %add3A_242 = arith.addi %add3A_241, %get3A_237 : vector<16xi32>
      tpu.vector_store_idx %arg6[%add3A_242], %broadcast_in_dim3A_19 : memref<32768xf32, #tpu.memory_space<vmem>>[vector<16xi32>], vector<16xf32>,
      %mul3A_243 = arith.constant 4 : i32
      %mul3A_244 = arith.muli %scan3A_209, %mul3A_243 : i32
      %add3A_245 = arith.constant 2 : i32
      %add3A_246 = arith.addi %mul3A_244, %add3A_245 : i32
      %add3A_247 = arith.constant 16 : i32
      %add3A_248 = arith.addi %add3A_247, %add3A_246 : i32
      %mul3A_249 = arith.constant 16 : i32
      %mul3A_250 = arith.muli %add3A_248, %mul3A_249 : i32
      %add3A_251 = arith.addi %select_n3A, %mul3A_250 : i32
      %get3A_252 = arith.index_cast %add3A_251 : i32 to index
      %get3A_253 = tpu.vector_load %arg4[%get3A_252] {strides = array<i32>} : memref<3136xi32, #tpu.memory_space<vmem>>, vector<16xi32>,
      %mul3A_254 = arith.constant 2048 : i32
      %mul3A_255 = arith.muli %add3A_246, %mul3A_254 : i32
      %add3A_256 = vector.broadcast %mul3A_255 : i32 to vector<16xi32>
      %add3A_257 = arith.addi %mul3A_22, %add3A_256 : vector<16xi32>
      %add3A_258 = arith.addi %add3A_257, %get3A_253 : vector<16xi32>
      tpu.vector_store_idx %arg6[%add3A_258], %broadcast_in_dim3A_19 : memref<32768xf32, #tpu.memory_space<vmem>>[vector<16xi32>], vector<16xf32>,
      %mul3A_259 = arith.constant 4 : i32
      %mul3A_260 = arith.muli %scan3A_209, %mul3A_259 : i32
      %add3A_261 = arith.constant 3 : i32
      %add3A_262 = arith.addi %mul3A_260, %add3A_261 : i32
      %add3A_263 = arith.constant 16 : i32
      %add3A_264 = arith.addi %add3A_263, %add3A_262 : i32
      %mul3A_265 = arith.constant 16 : i32
      %mul3A_266 = arith.muli %add3A_264, %mul3A_265 : i32
      %add3A_267 = arith.addi %select_n3A, %mul3A_266 : i32
      %get3A_268 = arith.index_cast %add3A_267 : i32 to index
      %get3A_269 = tpu.vector_load %arg4[%get3A_268] {strides = array<i32>} : memref<3136xi32, #tpu.memory_space<vmem>>, vector<16xi32>,
      %mul3A_270 = arith.constant 2048 : i32
      %mul3A_271 = arith.muli %add3A_262, %mul3A_270 : i32
      %add3A_272 = vector.broadcast %mul3A_271 : i32 to vector<16xi32>
      %add3A_273 = arith.addi %mul3A_22, %add3A_272 : vector<16xi32>
      %add3A_274 = arith.addi %add3A_273, %get3A_269 : vector<16xi32>
      tpu.vector_store_idx %arg6[%add3A_274], %broadcast_in_dim3A_19 : memref<32768xf32, #tpu.memory_space<vmem>>[vector<16xi32>], vector<16xf32>,
      %scan3A_275 = arith.constant 0 : i32
      scf.yield %scan3A_275 : i32
    }
    %scan3A_58 = arith.constant 4 : i32
    %add3A_59 = arith.constant 16 : i32
    %add3A_60 = arith.addi %add3A_4, %add3A_59 : i32
    %mul3A_61 = arith.constant 16 : i32
    %mul3A_62 = arith.muli %add3A_60, %mul3A_61 : i32
    %mul3A_63 = arith.constant 128 : i32
    %mul3A_64 = arith.muli %mul3A_62, %mul3A_63 : i32
    %dma_start3A_65 = tpu.memref_slice %arg3[%mul3A_64] : memref<12800000xf32, #tpu.memory_space<hbm>> -> memref<32768xf32, #tpu.memory_space<hbm>>
    %dma_start3A_66 = tpu.memref_slice %arg3[%mul3A_64] : memref<12800000xf32, #tpu.memory_space<hbm>> -> memref<32768xf32, #tpu.memory_space<hbm>>
    tpu.enqueue_dma source(%arg6 : memref<32768xf32, #tpu.memory_space<vmem>>) target(%dma_start3A_66 : memref<32768xf32, #tpu.memory_space<hbm>>) target_semaphore(%arg9 : memref<!tpu.dma_semaphore, #tpu.memory_space<semaphore_mem>>)
    %scan3A_67 = arith.constant 0 : i32
    %scan3A_68 = arith.constant 0 : i32
    %scan3A_69 = arith.constant 128 : i32
    %scan3A_70 = arith.addi %scan3A_68, %scan3A_69 : i32
    %scan3A_71 = arith.constant 1 : i32
    %scan3A_72 = scf.for %scan3A_209 = %scan3A_68 to %scan3A_70 step %scan3A_71 iter_args(%scan3A_210 = %scan3A_67) -> (i32)  : i32 {
      %mul3A_211 = arith.constant 256 : i32
      %mul3A_212 = arith.muli %scan3A_209, %mul3A_211 : i32
      %add3A_213 = arith.constant 0 : i32
      %add3A_214 = arith.addi %mul3A_212, %add3A_213 : i32
      %swap3A = arith.index_cast %add3A_214 : i32 to index
      %swap3A_215 = tpu.vector_load %arg7[%swap3A] {strides = array<i32>} : memref<32768xf32, #tpu.memory_space<vmem>>, vector<16xf32>,
      tpu.vector_store %arg7[%swap3A], %broadcast_in_dim3A_17 {strides = array<i32>} : memref<32768xf32, #tpu.memory_space<vmem>>, vector<16xf32>,
      %add3A_216 = arith.constant 16 : i32
      %add3A_217 = arith.addi %mul3A_212, %add3A_216 : i32
      %swap3A_218 = arith.index_cast %add3A_217 : i32 to index
      %swap3A_219 = tpu.vector_load %arg7[%swap3A_218] {strides = array<i32>} : memref<32768xf32, #tpu.memory_space<vmem>>, vector<16xf32>,
      tpu.vector_store %arg7[%swap3A_218], %broadcast_in_dim3A_17 {strides = array<i32>} : memref<32768xf32, #tpu.memory_space<vmem>>, vector<16xf32>,
      %add3A_220 = arith.constant 32 : i32
      %add3A_221 = arith.addi %mul3A_212, %add3A_220 : i32
      %swap3A_222 = arith.index_cast %add3A_221 : i32 to index
      %swap3A_223 = tpu.vector_load %arg7[%swap3A_222] {strides = array<i32>} : memref<32768xf32, #tpu.memory_space<vmem>>, vector<16xf32>,
      tpu.vector_store %arg7[%swap3A_222], %broadcast_in_dim3A_17 {strides = array<i32>} : memref<32768xf32, #tpu.memory_space<vmem>>, vector<16xf32>,
      %add3A_224 = arith.constant 48 : i32
      %add3A_225 = arith.addi %mul3A_212, %add3A_224 : i32
      %swap3A_226 = arith.index_cast %add3A_225 : i32 to index
      %swap3A_227 = tpu.vector_load %arg7[%swap3A_226] {strides = array<i32>} : memref<32768xf32, #tpu.memory_space<vmem>>, vector<16xf32>,
      tpu.vector_store %arg7[%swap3A_226], %broadcast_in_dim3A_17 {strides = array<i32>} : memref<32768xf32, #tpu.memory_space<vmem>>, vector<16xf32>,
      %add3A_228 = arith.constant 64 : i32
      %add3A_229 = arith.addi %mul3A_212, %add3A_228 : i32
      %swap3A_230 = arith.index_cast %add3A_229 : i32 to index
      %swap3A_231 = tpu.vector_load %arg7[%swap3A_230] {strides = array<i32>} : memref<32768xf32, #tpu.memory_space<vmem>>, vector<16xf32>,
      tpu.vector_store %arg7[%swap3A_230], %broadcast_in_dim3A_17 {strides = array<i32>} : memref<32768xf32, #tpu.memory_space<vmem>>, vector<16xf32>,
      %add3A_232 = arith.constant 80 : i32
      %add3A_233 = arith.addi %mul3A_212, %add3A_232 : i32
      %swap3A_234 = arith.index_cast %add3A_233 : i32 to index
      %swap3A_235 = tpu.vector_load %arg7[%swap3A_234] {strides = array<i32>} : memref<32768xf32, #tpu.memory_space<vmem>>, vector<16xf32>,
      tpu.vector_store %arg7[%swap3A_234], %broadcast_in_dim3A_17 {strides = array<i32>} : memref<32768xf32, #tpu.memory_space<vmem>>, vector<16xf32>,
      %add3A_236 = arith.constant 96 : i32
      %add3A_237 = arith.addi %mul3A_212, %add3A_236 : i32
      %swap3A_238 = arith.index_cast %add3A_237 : i32 to index
      %swap3A_239 = tpu.vector_load %arg7[%swap3A_238] {strides = array<i32>} : memref<32768xf32, #tpu.memory_space<vmem>>, vector<16xf32>,
      tpu.vector_store %arg7[%swap3A_238], %broadcast_in_dim3A_17 {strides = array<i32>} : memref<32768xf32, #tpu.memory_space<vmem>>, vector<16xf32>,
      %add3A_240 = arith.constant 112 : i32
      %add3A_241 = arith.addi %mul3A_212, %add3A_240 : i32
      %swap3A_242 = arith.index_cast %add3A_241 : i32 to index
      %swap3A_243 = tpu.vector_load %arg7[%swap3A_242] {strides = array<i32>} : memref<32768xf32, #tpu.memory_space<vmem>>, vector<16xf32>,
      tpu.vector_store %arg7[%swap3A_242], %broadcast_in_dim3A_17 {strides = array<i32>} : memref<32768xf32, #tpu.memory_space<vmem>>, vector<16xf32>,
      %add3A_244 = arith.constant 128 : i32
      %add3A_245 = arith.addi %mul3A_212, %add3A_244 : i32
      %swap3A_246 = arith.index_cast %add3A_245 : i32 to index
      %swap3A_247 = tpu.vector_load %arg7[%swap3A_246] {strides = array<i32>} : memref<32768xf32, #tpu.memory_space<vmem>>, vector<16xf32>,
      tpu.vector_store %arg7[%swap3A_246], %broadcast_in_dim3A_17 {strides = array<i32>} : memref<32768xf32, #tpu.memory_space<vmem>>, vector<16xf32>,
      %add3A_248 = arith.constant 144 : i32
      %add3A_249 = arith.addi %mul3A_212, %add3A_248 : i32
      %swap3A_250 = arith.index_cast %add3A_249 : i32 to index
      %swap3A_251 = tpu.vector_load %arg7[%swap3A_250] {strides = array<i32>} : memref<32768xf32, #tpu.memory_space<vmem>>, vector<16xf32>,
      tpu.vector_store %arg7[%swap3A_250], %broadcast_in_dim3A_17 {strides = array<i32>} : memref<32768xf32, #tpu.memory_space<vmem>>, vector<16xf32>,
      %add3A_252 = arith.constant 160 : i32
      %add3A_253 = arith.addi %mul3A_212, %add3A_252 : i32
      %swap3A_254 = arith.index_cast %add3A_253 : i32 to index
      %swap3A_255 = tpu.vector_load %arg7[%swap3A_254] {strides = array<i32>} : memref<32768xf32, #tpu.memory_space<vmem>>, vector<16xf32>,
      tpu.vector_store %arg7[%swap3A_254], %broadcast_in_dim3A_17 {strides = array<i32>} : memref<32768xf32, #tpu.memory_space<vmem>>, vector<16xf32>,
      %add3A_256 = arith.constant 176 : i32
      %add3A_257 = arith.addi %mul3A_212, %add3A_256 : i32
      %swap3A_258 = arith.index_cast %add3A_257 : i32 to index
      %swap3A_259 = tpu.vector_load %arg7[%swap3A_258] {strides = array<i32>} : memref<32768xf32, #tpu.memory_space<vmem>>, vector<16xf32>,
      tpu.vector_store %arg7[%swap3A_258], %broadcast_in_dim3A_17 {strides = array<i32>} : memref<32768xf32, #tpu.memory_space<vmem>>, vector<16xf32>,
      %add3A_260 = arith.constant 192 : i32
      %add3A_261 = arith.addi %mul3A_212, %add3A_260 : i32
      %swap3A_262 = arith.index_cast %add3A_261 : i32 to index
      %swap3A_263 = tpu.vector_load %arg7[%swap3A_262] {strides = array<i32>} : memref<32768xf32, #tpu.memory_space<vmem>>, vector<16xf32>,
      tpu.vector_store %arg7[%swap3A_262], %broadcast_in_dim3A_17 {strides = array<i32>} : memref<32768xf32, #tpu.memory_space<vmem>>, vector<16xf32>,
      %add3A_264 = arith.constant 208 : i32
      %add3A_265 = arith.addi %mul3A_212, %add3A_264 : i32
      %swap3A_266 = arith.index_cast %add3A_265 : i32 to index
      %swap3A_267 = tpu.vector_load %arg7[%swap3A_266] {strides = array<i32>} : memref<32768xf32, #tpu.memory_space<vmem>>, vector<16xf32>,
      tpu.vector_store %arg7[%swap3A_266], %broadcast_in_dim3A_17 {strides = array<i32>} : memref<32768xf32, #tpu.memory_space<vmem>>, vector<16xf32>,
      %add3A_268 = arith.constant 224 : i32
      %add3A_269 = arith.addi %mul3A_212, %add3A_268 : i32
      %swap3A_270 = arith.index_cast %add3A_269 : i32 to index
      %swap3A_271 = tpu.vector_load %arg7[%swap3A_270] {strides = array<i32>} : memref<32768xf32, #tpu.memory_space<vmem>>, vector<16xf32>,
      tpu.vector_store %arg7[%swap3A_270], %broadcast_in_dim3A_17 {strides = array<i32>} : memref<32768xf32, #tpu.memory_space<vmem>>, vector<16xf32>,
      %add3A_272 = arith.constant 240 : i32
      %add3A_273 = arith.addi %mul3A_212, %add3A_272 : i32
      %swap3A_274 = arith.index_cast %add3A_273 : i32 to index
      %swap3A_275 = tpu.vector_load %arg7[%swap3A_274] {strides = array<i32>} : memref<32768xf32, #tpu.memory_space<vmem>>, vector<16xf32>,
      tpu.vector_store %arg7[%swap3A_274], %broadcast_in_dim3A_17 {strides = array<i32>} : memref<32768xf32, #tpu.memory_space<vmem>>, vector<16xf32>,
      %scan3A_276 = arith.constant 0 : i32
      scf.yield %scan3A_276 : i32
    }
    %scan3A_73 = arith.constant 128 : i32
    %scan3A_74 = arith.constant 0 : i32
    %scan3A_75 = arith.constant 0 : i32
    %scan3A_76 = arith.constant 4 : i32
    %scan3A_77 = arith.addi %scan3A_75, %scan3A_76 : i32
    %scan3A_78 = arith.constant 1 : i32
    %scan3A_79 = scf.for %scan3A_209 = %scan3A_75 to %scan3A_77 step %scan3A_78 iter_args(%scan3A_210 = %scan3A_74) -> (i32)  : i32 {
      %mul3A_211 = arith.constant 4 : i32
      %mul3A_212 = arith.muli %scan3A_209, %mul3A_211 : i32
      %add3A_213 = arith.constant 0 : i32
      %add3A_214 = arith.addi %mul3A_212, %add3A_213 : i32
      %add3A_215 = arith.constant 32 : i32
      %add3A_216 = arith.addi %add3A_215, %add3A_214 : i32
      %mul3A_217 = arith.constant 16 : i32
      %mul3A_218 = arith.muli %add3A_216, %mul3A_217 : i32
      %add3A_219 = arith.addi %select_n3A, %mul3A_218 : i32
      %get3A_220 = arith.index_cast %add3A_219 : i32 to index
      %get3A_221 = tpu.vector_load %arg4[%get3A_220] {strides = array<i32>} : memref<3136xi32, #tpu.memory_space<vmem>>, vector<16xi32>,
      %mul3A_222 = arith.constant 2048 : i32
      %mul3A_223 = arith.muli %add3A_214, %mul3A_222 : i32
      %add3A_224 = vector.broadcast %mul3A_223 : i32 to vector<16xi32>
      %add3A_225 = arith.addi %mul3A_22, %add3A_224 : vector<16xi32>
      %add3A_226 = arith.addi %add3A_225, %get3A_221 : vector<16xi32>
      tpu.vector_store_idx %arg7[%add3A_226], %broadcast_in_dim3A_19 : memref<32768xf32, #tpu.memory_space<vmem>>[vector<16xi32>], vector<16xf32>,
      %mul3A_227 = arith.constant 4 : i32
      %mul3A_228 = arith.muli %scan3A_209, %mul3A_227 : i32
      %add3A_229 = arith.constant 1 : i32
      %add3A_230 = arith.addi %mul3A_228, %add3A_229 : i32
      %add3A_231 = arith.constant 32 : i32
      %add3A_232 = arith.addi %add3A_231, %add3A_230 : i32
      %mul3A_233 = arith.constant 16 : i32
      %mul3A_234 = arith.muli %add3A_232, %mul3A_233 : i32
      %add3A_235 = arith.addi %select_n3A, %mul3A_234 : i32
      %get3A_236 = arith.index_cast %add3A_235 : i32 to index
      %get3A_237 = tpu.vector_load %arg4[%get3A_236] {strides = array<i32>} : memref<3136xi32, #tpu.memory_space<vmem>>, vector<16xi32>,
      %mul3A_238 = arith.constant 2048 : i32
      %mul3A_239 = arith.muli %add3A_230, %mul3A_238 : i32
      %add3A_240 = vector.broadcast %mul3A_239 : i32 to vector<16xi32>
      %add3A_241 = arith.addi %mul3A_22, %add3A_240 : vector<16xi32>
      %add3A_242 = arith.addi %add3A_241, %get3A_237 : vector<16xi32>
      tpu.vector_store_idx %arg7[%add3A_242], %broadcast_in_dim3A_19 : memref<32768xf32, #tpu.memory_space<vmem>>[vector<16xi32>], vector<16xf32>,
      %mul3A_243 = arith.constant 4 : i32
      %mul3A_244 = arith.muli %scan3A_209, %mul3A_243 : i32
      %add3A_245 = arith.constant 2 : i32
      %add3A_246 = arith.addi %mul3A_244, %add3A_245 : i32
      %add3A_247 = arith.constant 32 : i32
      %add3A_248 = arith.addi %add3A_247, %add3A_246 : i32
      %mul3A_249 = arith.constant 16 : i32
      %mul3A_250 = arith.muli %add3A_248, %mul3A_249 : i32
      %add3A_251 = arith.addi %select_n3A, %mul3A_250 : i32
      %get3A_252 = arith.index_cast %add3A_251 : i32 to index
      %get3A_253 = tpu.vector_load %arg4[%get3A_252] {strides = array<i32>} : memref<3136xi32, #tpu.memory_space<vmem>>, vector<16xi32>,
      %mul3A_254 = arith.constant 2048 : i32
      %mul3A_255 = arith.muli %add3A_246, %mul3A_254 : i32
      %add3A_256 = vector.broadcast %mul3A_255 : i32 to vector<16xi32>
      %add3A_257 = arith.addi %mul3A_22, %add3A_256 : vector<16xi32>
      %add3A_258 = arith.addi %add3A_257, %get3A_253 : vector<16xi32>
      tpu.vector_store_idx %arg7[%add3A_258], %broadcast_in_dim3A_19 : memref<32768xf32, #tpu.memory_space<vmem>>[vector<16xi32>], vector<16xf32>,
      %mul3A_259 = arith.constant 4 : i32
      %mul3A_260 = arith.muli %scan3A_209, %mul3A_259 : i32
      %add3A_261 = arith.constant 3 : i32
      %add3A_262 = arith.addi %mul3A_260, %add3A_261 : i32
      %add3A_263 = arith.constant 32 : i32
      %add3A_264 = arith.addi %add3A_263, %add3A_262 : i32
      %mul3A_265 = arith.constant 16 : i32
      %mul3A_266 = arith.muli %add3A_264, %mul3A_265 : i32
      %add3A_267 = arith.addi %select_n3A, %mul3A_266 : i32
      %get3A_268 = arith.index_cast %add3A_267 : i32 to index
      %get3A_269 = tpu.vector_load %arg4[%get3A_268] {strides = array<i32>} : memref<3136xi32, #tpu.memory_space<vmem>>, vector<16xi32>,
      %mul3A_270 = arith.constant 2048 : i32
      %mul3A_271 = arith.muli %add3A_262, %mul3A_270 : i32
      %add3A_272 = vector.broadcast %mul3A_271 : i32 to vector<16xi32>
      %add3A_273 = arith.addi %mul3A_22, %add3A_272 : vector<16xi32>
      %add3A_274 = arith.addi %add3A_273, %get3A_269 : vector<16xi32>
      tpu.vector_store_idx %arg7[%add3A_274], %broadcast_in_dim3A_19 : memref<32768xf32, #tpu.memory_space<vmem>>[vector<16xi32>], vector<16xf32>,
      %scan3A_275 = arith.constant 0 : i32
      scf.yield %scan3A_275 : i32
    }
    %scan3A_80 = arith.constant 4 : i32
    %add3A_81 = arith.constant 32 : i32
    %add3A_82 = arith.addi %add3A_4, %add3A_81 : i32
    %mul3A_83 = arith.constant 16 : i32
    %mul3A_84 = arith.muli %add3A_82, %mul3A_83 : i32
    %mul3A_85 = arith.constant 128 : i32
    %mul3A_86 = arith.muli %mul3A_84, %mul3A_85 : i32
    %dma_start3A_87 = tpu.memref_slice %arg3[%mul3A_86] : memref<12800000xf32, #tpu.memory_space<hbm>> -> memref<32768xf32, #tpu.memory_space<hbm>>
    %dma_start3A_88 = tpu.memref_slice %arg3[%mul3A_86] : memref<12800000xf32, #tpu.memory_space<hbm>> -> memref<32768xf32, #tpu.memory_space<hbm>>
    tpu.enqueue_dma source(%arg7 : memref<32768xf32, #tpu.memory_space<vmem>>) target(%dma_start3A_88 : memref<32768xf32, #tpu.memory_space<hbm>>) target_semaphore(%arg10 : memref<!tpu.dma_semaphore, #tpu.memory_space<semaphore_mem>>)
    %scan3A_89 = arith.constant 0 : i32
    %scan3A_90 = arith.constant 1 : i32
    %scan3A_91 = arith.constant 3 : i32
    %scan3A_92 = arith.addi %scan3A_90, %scan3A_91 : i32
    %scan3A_93 = arith.constant 1 : i32
    %scan3A_94 = scf.for %scan3A_209 = %scan3A_90 to %scan3A_92 step %scan3A_93 iter_args(%scan3A_210 = %scan3A_89) -> (i32)  : i32 {
      %mul3A_211 = arith.constant 3 : i32
      %mul3A_212 = arith.muli %scan3A_209, %mul3A_211 : i32
      %add3A_213 = arith.constant 0 : i32
      %add3A_214 = arith.addi %mul3A_212, %add3A_213 : i32
      %sub3A_215 = arith.constant 3 : i32
      %sub3A_216 = arith.subi %add3A_214, %sub3A_215 : i32
      %mul3A_217 = arith.constant 16 : i32
      %mul3A_218 = arith.muli %sub3A_216, %mul3A_217 : i32
      %add3A_219 = arith.addi %add3A_4, %mul3A_218 : i32
      %mul3A_220 = arith.constant 16 : i32
      %mul3A_221 = arith.muli %add3A_219, %mul3A_220 : i32
      %mul3A_222 = arith.constant 128 : i32
      %mul3A_223 = arith.muli %mul3A_221, %mul3A_222 : i32
      %dma_wait3A_224 = tpu.memref_slice %arg3[%mul3A_223] : memref<12800000xf32, #tpu.memory_space<hbm>> -> memref<32768xf32, #tpu.memory_space<hbm>>
      %dma_wait3A_225 = tpu.memref_slice %arg3[%mul3A_223] : memref<12800000xf32, #tpu.memory_space<hbm>> -> memref<32768xf32, #tpu.memory_space<hbm>>
      tpu.wait_dma2 semaphore(%arg8 : memref<!tpu.dma_semaphore, #tpu.memory_space<semaphore_mem>>) src(%arg5 : memref<32768xf32, #tpu.memory_space<vmem>>) dst(%dma_wait3A_225 : memref<32768xf32, #tpu.memory_space<hbm>>)
      %sub3A_226 = arith.constant 3 : i32
      %sub3A_227 = arith.subi %add3A_214, %sub3A_226 : i32
      %mul3A_228 = arith.constant 16 : i32
      %mul3A_229 = arith.muli %sub3A_227, %mul3A_228 : i32
      %scan3A_230 = arith.constant 0 : i32
      %scan3A_231 = arith.constant 0 : i32
      %scan3A_232 = arith.constant 4 : i32
      %scan3A_233 = arith.addi %scan3A_231, %scan3A_232 : i32
      %scan3A_234 = arith.constant 1 : i32
      %scan3A_235 = scf.for %scan3A_344 = %scan3A_231 to %scan3A_233 step %scan3A_234 iter_args(%scan3A_345 = %scan3A_230) -> (i32)  : i32 {
        %mul3A_346 = arith.constant 4 : i32
        %mul3A_347 = arith.muli %scan3A_344, %mul3A_346 : i32
        %add3A_348 = arith.constant 0 : i32
        %add3A_349 = arith.addi %mul3A_347, %add3A_348 : i32
        %add3A_350 = arith.addi %mul3A_229, %add3A_349 : i32
        %mul3A_351 = arith.constant 16 : i32
        %mul3A_352 = arith.muli %add3A_350, %mul3A_351 : i32
        %add3A_353 = arith.addi %select_n3A, %mul3A_352 : i32
        %get3A_354 = arith.index_cast %add3A_353 : i32 to index
        %get3A_355 = tpu.vector_load %arg4[%get3A_354] {strides = array<i32>} : memref<3136xi32, #tpu.memory_space<vmem>>, vector<16xi32>,
        %mul3A_356 = arith.constant 2048 : i32
        %mul3A_357 = arith.muli %add3A_349, %mul3A_356 : i32
        %add3A_358 = vector.broadcast %mul3A_357 : i32 to vector<16xi32>
        %add3A_359 = arith.addi %mul3A_22, %add3A_358 : vector<16xi32>
        %add3A_360 = arith.addi %add3A_359, %get3A_355 : vector<16xi32>
        tpu.vector_store_idx %arg5[%add3A_360], %broadcast_in_dim3A_17 : memref<32768xf32, #tpu.memory_space<vmem>>[vector<16xi32>], vector<16xf32>,
        %mul3A_361 = arith.constant 4 : i32
        %mul3A_362 = arith.muli %scan3A_344, %mul3A_361 : i32
        %add3A_363 = arith.constant 1 : i32
        %add3A_364 = arith.addi %mul3A_362, %add3A_363 : i32
        %add3A_365 = arith.addi %mul3A_229, %add3A_364 : i32
        %mul3A_366 = arith.constant 16 : i32
        %mul3A_367 = arith.muli %add3A_365, %mul3A_366 : i32
        %add3A_368 = arith.addi %select_n3A, %mul3A_367 : i32
        %get3A_369 = arith.index_cast %add3A_368 : i32 to index
        %get3A_370 = tpu.vector_load %arg4[%get3A_369] {strides = array<i32>} : memref<3136xi32, #tpu.memory_space<vmem>>, vector<16xi32>,
        %mul3A_371 = arith.constant 2048 : i32
        %mul3A_372 = arith.muli %add3A_364, %mul3A_371 : i32
        %add3A_373 = vector.broadcast %mul3A_372 : i32 to vector<16xi32>
        %add3A_374 = arith.addi %mul3A_22, %add3A_373 : vector<16xi32>
        %add3A_375 = arith.addi %add3A_374, %get3A_370 : vector<16xi32>
        tpu.vector_store_idx %arg5[%add3A_375], %broadcast_in_dim3A_17 : memref<32768xf32, #tpu.memory_space<vmem>>[vector<16xi32>], vector<16xf32>,
        %mul3A_376 = arith.constant 4 : i32
        %mul3A_377 = arith.muli %scan3A_344, %mul3A_376 : i32
        %add3A_378 = arith.constant 2 : i32
        %add3A_379 = arith.addi %mul3A_377, %add3A_378 : i32
        %add3A_380 = arith.addi %mul3A_229, %add3A_379 : i32
        %mul3A_381 = arith.constant 16 : i32
        %mul3A_382 = arith.muli %add3A_380, %mul3A_381 : i32
        %add3A_383 = arith.addi %select_n3A, %mul3A_382 : i32
        %get3A_384 = arith.index_cast %add3A_383 : i32 to index
        %get3A_385 = tpu.vector_load %arg4[%get3A_384] {strides = array<i32>} : memref<3136xi32, #tpu.memory_space<vmem>>, vector<16xi32>,
        %mul3A_386 = arith.constant 2048 : i32
        %mul3A_387 = arith.muli %add3A_379, %mul3A_386 : i32
        %add3A_388 = vector.broadcast %mul3A_387 : i32 to vector<16xi32>
        %add3A_389 = arith.addi %mul3A_22, %add3A_388 : vector<16xi32>
        %add3A_390 = arith.addi %add3A_389, %get3A_385 : vector<16xi32>
        tpu.vector_store_idx %arg5[%add3A_390], %broadcast_in_dim3A_17 : memref<32768xf32, #tpu.memory_space<vmem>>[vector<16xi32>], vector<16xf32>,
        %mul3A_391 = arith.constant 4 : i32
        %mul3A_392 = arith.muli %scan3A_344, %mul3A_391 : i32
        %add3A_393 = arith.constant 3 : i32
        %add3A_394 = arith.addi %mul3A_392, %add3A_393 : i32
        %add3A_395 = arith.addi %mul3A_229, %add3A_394 : i32
        %mul3A_396 = arith.constant 16 : i32
        %mul3A_397 = arith.muli %add3A_395, %mul3A_396 : i32
        %add3A_398 = arith.addi %select_n3A, %mul3A_397 : i32
        %get3A_399 = arith.index_cast %add3A_398 : i32 to index
        %get3A_400 = tpu.vector_load %arg4[%get3A_399] {strides = array<i32>} : memref<3136xi32, #tpu.memory_space<vmem>>, vector<16xi32>,
        %mul3A_401 = arith.constant 2048 : i32
        %mul3A_402 = arith.muli %add3A_394, %mul3A_401 : i32
        %add3A_403 = vector.broadcast %mul3A_402 : i32 to vector<16xi32>
        %add3A_404 = arith.addi %mul3A_22, %add3A_403 : vector<16xi32>
        %add3A_405 = arith.addi %add3A_404, %get3A_400 : vector<16xi32>
        tpu.vector_store_idx %arg5[%add3A_405], %broadcast_in_dim3A_17 : memref<32768xf32, #tpu.memory_space<vmem>>[vector<16xi32>], vector<16xf32>,
        %scan3A_406 = arith.constant 0 : i32
        scf.yield %scan3A_406 : i32
      }
      %scan3A_236 = arith.constant 4 : i32
      %mul3A_237 = arith.constant 16 : i32
      %mul3A_238 = arith.muli %add3A_214, %mul3A_237 : i32
      %scan3A_239 = arith.constant 0 : i32
      %scan3A_240 = arith.constant 0 : i32
      %scan3A_241 = arith.constant 4 : i32
      %scan3A_242 = arith.addi %scan3A_240, %scan3A_241 : i32
      %scan3A_243 = arith.constant 1 : i32
      %scan3A_244 = scf.for %scan3A_344 = %scan3A_240 to %scan3A_242 step %scan3A_243 iter_args(%scan3A_345 = %scan3A_239) -> (i32)  : i32 {
        %mul3A_346 = arith.constant 4 : i32
        %mul3A_347 = arith.muli %scan3A_344, %mul3A_346 : i32
        %add3A_348 = arith.constant 0 : i32
        %add3A_349 = arith.addi %mul3A_347, %add3A_348 : i32
        %add3A_350 = arith.addi %mul3A_238, %add3A_349 : i32
        %mul3A_351 = arith.constant 16 : i32
        %mul3A_352 = arith.muli %add3A_350, %mul3A_351 : i32
        %add3A_353 = arith.addi %select_n3A, %mul3A_352 : i32
        %get3A_354 = arith.index_cast %add3A_353 : i32 to index
        %get3A_355 = tpu.vector_load %arg4[%get3A_354] {strides = array<i32>} : memref<3136xi32, #tpu.memory_space<vmem>>, vector<16xi32>,
        %mul3A_356 = arith.constant 2048 : i32
        %mul3A_357 = arith.muli %add3A_349, %mul3A_356 : i32
        %add3A_358 = vector.broadcast %mul3A_357 : i32 to vector<16xi32>
        %add3A_359 = arith.addi %mul3A_22, %add3A_358 : vector<16xi32>
        %add3A_360 = arith.addi %add3A_359, %get3A_355 : vector<16xi32>
        tpu.vector_store_idx %arg5[%add3A_360], %broadcast_in_dim3A_19 : memref<32768xf32, #tpu.memory_space<vmem>>[vector<16xi32>], vector<16xf32>,
        %mul3A_361 = arith.constant 4 : i32
        %mul3A_362 = arith.muli %scan3A_344, %mul3A_361 : i32
        %add3A_363 = arith.constant 1 : i32
        %add3A_364 = arith.addi %mul3A_362, %add3A_363 : i32
        %add3A_365 = arith.addi %mul3A_238, %add3A_364 : i32
        %mul3A_366 = arith.constant 16 : i32
        %mul3A_367 = arith.muli %add3A_365, %mul3A_366 : i32
        %add3A_368 = arith.addi %select_n3A, %mul3A_367 : i32
        %get3A_369 = arith.index_cast %add3A_368 : i32 to index
        %get3A_370 = tpu.vector_load %arg4[%get3A_369] {strides = array<i32>} : memref<3136xi32, #tpu.memory_space<vmem>>, vector<16xi32>,
        %mul3A_371 = arith.constant 2048 : i32
        %mul3A_372 = arith.muli %add3A_364, %mul3A_371 : i32
        %add3A_373 = vector.broadcast %mul3A_372 : i32 to vector<16xi32>
        %add3A_374 = arith.addi %mul3A_22, %add3A_373 : vector<16xi32>
        %add3A_375 = arith.addi %add3A_374, %get3A_370 : vector<16xi32>
        tpu.vector_store_idx %arg5[%add3A_375], %broadcast_in_dim3A_19 : memref<32768xf32, #tpu.memory_space<vmem>>[vector<16xi32>], vector<16xf32>,
        %mul3A_376 = arith.constant 4 : i32
        %mul3A_377 = arith.muli %scan3A_344, %mul3A_376 : i32
        %add3A_378 = arith.constant 2 : i32
        %add3A_379 = arith.addi %mul3A_377, %add3A_378 : i32
        %add3A_380 = arith.addi %mul3A_238, %add3A_379 : i32
        %mul3A_381 = arith.constant 16 : i32
        %mul3A_382 = arith.muli %add3A_380, %mul3A_381 : i32
        %add3A_383 = arith.addi %select_n3A, %mul3A_382 : i32
        %get3A_384 = arith.index_cast %add3A_383 : i32 to index
        %get3A_385 = tpu.vector_load %arg4[%get3A_384] {strides = array<i32>} : memref<3136xi32, #tpu.memory_space<vmem>>, vector<16xi32>,
        %mul3A_386 = arith.constant 2048 : i32
        %mul3A_387 = arith.muli %add3A_379, %mul3A_386 : i32
        %add3A_388 = vector.broadcast %mul3A_387 : i32 to vector<16xi32>
        %add3A_389 = arith.addi %mul3A_22, %add3A_388 : vector<16xi32>
        %add3A_390 = arith.addi %add3A_389, %get3A_385 : vector<16xi32>
        tpu.vector_store_idx %arg5[%add3A_390], %broadcast_in_dim3A_19 : memref<32768xf32, #tpu.memory_space<vmem>>[vector<16xi32>], vector<16xf32>,
        %mul3A_391 = arith.constant 4 : i32
        %mul3A_392 = arith.muli %scan3A_344, %mul3A_391 : i32
        %add3A_393 = arith.constant 3 : i32
        %add3A_394 = arith.addi %mul3A_392, %add3A_393 : i32
        %add3A_395 = arith.addi %mul3A_238, %add3A_394 : i32
        %mul3A_396 = arith.constant 16 : i32
        %mul3A_397 = arith.muli %add3A_395, %mul3A_396 : i32
        %add3A_398 = arith.addi %select_n3A, %mul3A_397 : i32
        %get3A_399 = arith.index_cast %add3A_398 : i32 to index
        %get3A_400 = tpu.vector_load %arg4[%get3A_399] {strides = array<i32>} : memref<3136xi32, #tpu.memory_space<vmem>>, vector<16xi32>,
        %mul3A_401 = arith.constant 2048 : i32
        %mul3A_402 = arith.muli %add3A_394, %mul3A_401 : i32
        %add3A_403 = vector.broadcast %mul3A_402 : i32 to vector<16xi32>
        %add3A_404 = arith.addi %mul3A_22, %add3A_403 : vector<16xi32>
        %add3A_405 = arith.addi %add3A_404, %get3A_400 : vector<16xi32>
        tpu.vector_store_idx %arg5[%add3A_405], %broadcast_in_dim3A_19 : memref<32768xf32, #tpu.memory_space<vmem>>[vector<16xi32>], vector<16xf32>,
        %scan3A_406 = arith.constant 0 : i32
        scf.yield %scan3A_406 : i32
      }
      %scan3A_245 = arith.constant 4 : i32
      %mul3A_246 = arith.constant 16 : i32
      %mul3A_247 = arith.muli %add3A_214, %mul3A_246 : i32
      %add3A_248 = arith.addi %add3A_4, %mul3A_247 : i32
      %mul3A_249 = arith.constant 16 : i32
      %mul3A_250 = arith.muli %add3A_248, %mul3A_249 : i32
      %mul3A_251 = arith.constant 128 : i32
      %mul3A_252 = arith.muli %mul3A_250, %mul3A_251 : i32
      %dma_start3A_253 = tpu.memref_slice %arg3[%mul3A_252] : memref<12800000xf32, #tpu.memory_space<hbm>> -> memref<32768xf32, #tpu.memory_space<hbm>>
      %dma_start3A_254 = tpu.memref_slice %arg3[%mul3A_252] : memref<12800000xf32, #tpu.memory_space<hbm>> -> memref<32768xf32, #tpu.memory_space<hbm>>
      tpu.enqueue_dma source(%arg5 : memref<32768xf32, #tpu.memory_space<vmem>>) target(%dma_start3A_254 : memref<32768xf32, #tpu.memory_space<hbm>>) target_semaphore(%arg8 : memref<!tpu.dma_semaphore, #tpu.memory_space<semaphore_mem>>)
      %mul3A_255 = arith.constant 3 : i32
      %mul3A_256 = arith.muli %scan3A_209, %mul3A_255 : i32
      %add3A_257 = arith.constant 1 : i32
      %add3A_258 = arith.addi %mul3A_256, %add3A_257 : i32
      %sub3A_259 = arith.constant 3 : i32
      %sub3A_260 = arith.subi %add3A_258, %sub3A_259 : i32
      %mul3A_261 = arith.constant 16 : i32
      %mul3A_262 = arith.muli %sub3A_260, %mul3A_261 : i32
      %add3A_263 = arith.addi %add3A_4, %mul3A_262 : i32
      %mul3A_264 = arith.constant 16 : i32
      %mul3A_265 = arith.muli %add3A_263, %mul3A_264 : i32
      %mul3A_266 = arith.constant 128 : i32
      %mul3A_267 = arith.muli %mul3A_265, %mul3A_266 : i32
      %dma_wait3A_268 = tpu.memref_slice %arg3[%mul3A_267] : memref<12800000xf32, #tpu.memory_space<hbm>> -> memref<32768xf32, #tpu.memory_space<hbm>>
      %dma_wait3A_269 = tpu.memref_slice %arg3[%mul3A_267] : memref<12800000xf32, #tpu.memory_space<hbm>> -> memref<32768xf32, #tpu.memory_space<hbm>>
      tpu.wait_dma2 semaphore(%arg9 : memref<!tpu.dma_semaphore, #tpu.memory_space<semaphore_mem>>) src(%arg6 : memref<32768xf32, #tpu.memory_space<vmem>>) dst(%dma_wait3A_269 : memref<32768xf32, #tpu.memory_space<hbm>>)
      %sub3A_270 = arith.constant 3 : i32
      %sub3A_271 = arith.subi %add3A_258, %sub3A_270 : i32
      %mul3A_272 = arith.constant 16 : i32
      %mul3A_273 = arith.muli %sub3A_271, %mul3A_272 : i32
      %scan3A_274 = arith.constant 0 : i32
      %scan3A_275 = arith.constant 0 : i32
      %scan3A_276 = arith.constant 4 : i32
      %scan3A_277 = arith.addi %scan3A_275, %scan3A_276 : i32
      %scan3A_278 = arith.constant 1 : i32
      %scan3A_279 = scf.for %scan3A_344 = %scan3A_275 to %scan3A_277 step %scan3A_278 iter_args(%scan3A_345 = %scan3A_274) -> (i32)  : i32 {
        %mul3A_346 = arith.constant 4 : i32
        %mul3A_347 = arith.muli %scan3A_344, %mul3A_346 : i32
        %add3A_348 = arith.constant 0 : i32
        %add3A_349 = arith.addi %mul3A_347, %add3A_348 : i32
        %add3A_350 = arith.addi %mul3A_273, %add3A_349 : i32
        %mul3A_351 = arith.constant 16 : i32
        %mul3A_352 = arith.muli %add3A_350, %mul3A_351 : i32
        %add3A_353 = arith.addi %select_n3A, %mul3A_352 : i32
        %get3A_354 = arith.index_cast %add3A_353 : i32 to index
        %get3A_355 = tpu.vector_load %arg4[%get3A_354] {strides = array<i32>} : memref<3136xi32, #tpu.memory_space<vmem>>, vector<16xi32>,
        %mul3A_356 = arith.constant 2048 : i32
        %mul3A_357 = arith.muli %add3A_349, %mul3A_356 : i32
        %add3A_358 = vector.broadcast %mul3A_357 : i32 to vector<16xi32>
        %add3A_359 = arith.addi %mul3A_22, %add3A_358 : vector<16xi32>
        %add3A_360 = arith.addi %add3A_359, %get3A_355 : vector<16xi32>
        tpu.vector_store_idx %arg6[%add3A_360], %broadcast_in_dim3A_17 : memref<32768xf32, #tpu.memory_space<vmem>>[vector<16xi32>], vector<16xf32>,
        %mul3A_361 = arith.constant 4 : i32
        %mul3A_362 = arith.muli %scan3A_344, %mul3A_361 : i32
        %add3A_363 = arith.constant 1 : i32
        %add3A_364 = arith.addi %mul3A_362, %add3A_363 : i32
        %add3A_365 = arith.addi %mul3A_273, %add3A_364 : i32
        %mul3A_366 = arith.constant 16 : i32
        %mul3A_367 = arith.muli %add3A_365, %mul3A_366 : i32
        %add3A_368 = arith.addi %select_n3A, %mul3A_367 : i32
        %get3A_369 = arith.index_cast %add3A_368 : i32 to index
        %get3A_370 = tpu.vector_load %arg4[%get3A_369] {strides = array<i32>} : memref<3136xi32, #tpu.memory_space<vmem>>, vector<16xi32>,
        %mul3A_371 = arith.constant 2048 : i32
        %mul3A_372 = arith.muli %add3A_364, %mul3A_371 : i32
        %add3A_373 = vector.broadcast %mul3A_372 : i32 to vector<16xi32>
        %add3A_374 = arith.addi %mul3A_22, %add3A_373 : vector<16xi32>
        %add3A_375 = arith.addi %add3A_374, %get3A_370 : vector<16xi32>
        tpu.vector_store_idx %arg6[%add3A_375], %broadcast_in_dim3A_17 : memref<32768xf32, #tpu.memory_space<vmem>>[vector<16xi32>], vector<16xf32>,
        %mul3A_376 = arith.constant 4 : i32
        %mul3A_377 = arith.muli %scan3A_344, %mul3A_376 : i32
        %add3A_378 = arith.constant 2 : i32
        %add3A_379 = arith.addi %mul3A_377, %add3A_378 : i32
        %add3A_380 = arith.addi %mul3A_273, %add3A_379 : i32
        %mul3A_381 = arith.constant 16 : i32
        %mul3A_382 = arith.muli %add3A_380, %mul3A_381 : i32
        %add3A_383 = arith.addi %select_n3A, %mul3A_382 : i32
        %get3A_384 = arith.index_cast %add3A_383 : i32 to index
        %get3A_385 = tpu.vector_load %arg4[%get3A_384] {strides = array<i32>} : memref<3136xi32, #tpu.memory_space<vmem>>, vector<16xi32>,
        %mul3A_386 = arith.constant 2048 : i32
        %mul3A_387 = arith.muli %add3A_379, %mul3A_386 : i32
        %add3A_388 = vector.broadcast %mul3A_387 : i32 to vector<16xi32>
        %add3A_389 = arith.addi %mul3A_22, %add3A_388 : vector<16xi32>
        %add3A_390 = arith.addi %add3A_389, %get3A_385 : vector<16xi32>
        tpu.vector_store_idx %arg6[%add3A_390], %broadcast_in_dim3A_17 : memref<32768xf32, #tpu.memory_space<vmem>>[vector<16xi32>], vector<16xf32>,
        %mul3A_391 = arith.constant 4 : i32
        %mul3A_392 = arith.muli %scan3A_344, %mul3A_391 : i32
        %add3A_393 = arith.constant 3 : i32
        %add3A_394 = arith.addi %mul3A_392, %add3A_393 : i32
        %add3A_395 = arith.addi %mul3A_273, %add3A_394 : i32
        %mul3A_396 = arith.constant 16 : i32
        %mul3A_397 = arith.muli %add3A_395, %mul3A_396 : i32
        %add3A_398 = arith.addi %select_n3A, %mul3A_397 : i32
        %get3A_399 = arith.index_cast %add3A_398 : i32 to index
        %get3A_400 = tpu.vector_load %arg4[%get3A_399] {strides = array<i32>} : memref<3136xi32, #tpu.memory_space<vmem>>, vector<16xi32>,
        %mul3A_401 = arith.constant 2048 : i32
        %mul3A_402 = arith.muli %add3A_394, %mul3A_401 : i32
        %add3A_403 = vector.broadcast %mul3A_402 : i32 to vector<16xi32>
        %add3A_404 = arith.addi %mul3A_22, %add3A_403 : vector<16xi32>
        %add3A_405 = arith.addi %add3A_404, %get3A_400 : vector<16xi32>
        tpu.vector_store_idx %arg6[%add3A_405], %broadcast_in_dim3A_17 : memref<32768xf32, #tpu.memory_space<vmem>>[vector<16xi32>], vector<16xf32>,
        %scan3A_406 = arith.constant 0 : i32
        scf.yield %scan3A_406 : i32
      }
      %scan3A_280 = arith.constant 4 : i32
      %mul3A_281 = arith.constant 16 : i32
      %mul3A_282 = arith.muli %add3A_258, %mul3A_281 : i32
      %scan3A_283 = arith.constant 0 : i32
      %scan3A_284 = arith.constant 0 : i32
      %scan3A_285 = arith.constant 4 : i32
      %scan3A_286 = arith.addi %scan3A_284, %scan3A_285 : i32
      %scan3A_287 = arith.constant 1 : i32
      %scan3A_288 = scf.for %scan3A_344 = %scan3A_284 to %scan3A_286 step %scan3A_287 iter_args(%scan3A_345 = %scan3A_283) -> (i32)  : i32 {
        %mul3A_346 = arith.constant 4 : i32
        %mul3A_347 = arith.muli %scan3A_344, %mul3A_346 : i32
        %add3A_348 = arith.constant 0 : i32
        %add3A_349 = arith.addi %mul3A_347, %add3A_348 : i32
        %add3A_350 = arith.addi %mul3A_282, %add3A_349 : i32
        %mul3A_351 = arith.constant 16 : i32
        %mul3A_352 = arith.muli %add3A_350, %mul3A_351 : i32
        %add3A_353 = arith.addi %select_n3A, %mul3A_352 : i32
        %get3A_354 = arith.index_cast %add3A_353 : i32 to index
        %get3A_355 = tpu.vector_load %arg4[%get3A_354] {strides = array<i32>} : memref<3136xi32, #tpu.memory_space<vmem>>, vector<16xi32>,
        %mul3A_356 = arith.constant 2048 : i32
        %mul3A_357 = arith.muli %add3A_349, %mul3A_356 : i32
        %add3A_358 = vector.broadcast %mul3A_357 : i32 to vector<16xi32>
        %add3A_359 = arith.addi %mul3A_22, %add3A_358 : vector<16xi32>
        %add3A_360 = arith.addi %add3A_359, %get3A_355 : vector<16xi32>
        tpu.vector_store_idx %arg6[%add3A_360], %broadcast_in_dim3A_19 : memref<32768xf32, #tpu.memory_space<vmem>>[vector<16xi32>], vector<16xf32>,
        %mul3A_361 = arith.constant 4 : i32
        %mul3A_362 = arith.muli %scan3A_344, %mul3A_361 : i32
        %add3A_363 = arith.constant 1 : i32
        %add3A_364 = arith.addi %mul3A_362, %add3A_363 : i32
        %add3A_365 = arith.addi %mul3A_282, %add3A_364 : i32
        %mul3A_366 = arith.constant 16 : i32
        %mul3A_367 = arith.muli %add3A_365, %mul3A_366 : i32
        %add3A_368 = arith.addi %select_n3A, %mul3A_367 : i32
        %get3A_369 = arith.index_cast %add3A_368 : i32 to index
        %get3A_370 = tpu.vector_load %arg4[%get3A_369] {strides = array<i32>} : memref<3136xi32, #tpu.memory_space<vmem>>, vector<16xi32>,
        %mul3A_371 = arith.constant 2048 : i32
        %mul3A_372 = arith.muli %add3A_364, %mul3A_371 : i32
        %add3A_373 = vector.broadcast %mul3A_372 : i32 to vector<16xi32>
        %add3A_374 = arith.addi %mul3A_22, %add3A_373 : vector<16xi32>
        %add3A_375 = arith.addi %add3A_374, %get3A_370 : vector<16xi32>
        tpu.vector_store_idx %arg6[%add3A_375], %broadcast_in_dim3A_19 : memref<32768xf32, #tpu.memory_space<vmem>>[vector<16xi32>], vector<16xf32>,
        %mul3A_376 = arith.constant 4 : i32
        %mul3A_377 = arith.muli %scan3A_344, %mul3A_376 : i32
        %add3A_378 = arith.constant 2 : i32
        %add3A_379 = arith.addi %mul3A_377, %add3A_378 : i32
        %add3A_380 = arith.addi %mul3A_282, %add3A_379 : i32
        %mul3A_381 = arith.constant 16 : i32
        %mul3A_382 = arith.muli %add3A_380, %mul3A_381 : i32
        %add3A_383 = arith.addi %select_n3A, %mul3A_382 : i32
        %get3A_384 = arith.index_cast %add3A_383 : i32 to index
        %get3A_385 = tpu.vector_load %arg4[%get3A_384] {strides = array<i32>} : memref<3136xi32, #tpu.memory_space<vmem>>, vector<16xi32>,
        %mul3A_386 = arith.constant 2048 : i32
        %mul3A_387 = arith.muli %add3A_379, %mul3A_386 : i32
        %add3A_388 = vector.broadcast %mul3A_387 : i32 to vector<16xi32>
        %add3A_389 = arith.addi %mul3A_22, %add3A_388 : vector<16xi32>
        %add3A_390 = arith.addi %add3A_389, %get3A_385 : vector<16xi32>
        tpu.vector_store_idx %arg6[%add3A_390], %broadcast_in_dim3A_19 : memref<32768xf32, #tpu.memory_space<vmem>>[vector<16xi32>], vector<16xf32>,
        %mul3A_391 = arith.constant 4 : i32
        %mul3A_392 = arith.muli %scan3A_344, %mul3A_391 : i32
        %add3A_393 = arith.constant 3 : i32
        %add3A_394 = arith.addi %mul3A_392, %add3A_393 : i32
        %add3A_395 = arith.addi %mul3A_282, %add3A_394 : i32
        %mul3A_396 = arith.constant 16 : i32
        %mul3A_397 = arith.muli %add3A_395, %mul3A_396 : i32
        %add3A_398 = arith.addi %select_n3A, %mul3A_397 : i32
        %get3A_399 = arith.index_cast %add3A_398 : i32 to index
        %get3A_400 = tpu.vector_load %arg4[%get3A_399] {strides = array<i32>} : memref<3136xi32, #tpu.memory_space<vmem>>, vector<16xi32>,
        %mul3A_401 = arith.constant 2048 : i32
        %mul3A_402 = arith.muli %add3A_394, %mul3A_401 : i32
        %add3A_403 = vector.broadcast %mul3A_402 : i32 to vector<16xi32>
        %add3A_404 = arith.addi %mul3A_22, %add3A_403 : vector<16xi32>
        %add3A_405 = arith.addi %add3A_404, %get3A_400 : vector<16xi32>
        tpu.vector_store_idx %arg6[%add3A_405], %broadcast_in_dim3A_19 : memref<32768xf32, #tpu.memory_space<vmem>>[vector<16xi32>], vector<16xf32>,
        %scan3A_406 = arith.constant 0 : i32
        scf.yield %scan3A_406 : i32
      }
      %scan3A_289 = arith.constant 4 : i32
      %mul3A_290 = arith.constant 16 : i32
      %mul3A_291 = arith.muli %add3A_258, %mul3A_290 : i32
      %add3A_292 = arith.addi %add3A_4, %mul3A_291 : i32
      %mul3A_293 = arith.constant 16 : i32
      %mul3A_294 = arith.muli %add3A_292, %mul3A_293 : i32
      %mul3A_295 = arith.constant 128 : i32
      %mul3A_296 = arith.muli %mul3A_294, %mul3A_295 : i32
      %dma_start3A_297 = tpu.memref_slice %arg3[%mul3A_296] : memref<12800000xf32, #tpu.memory_space<hbm>> -> memref<32768xf32, #tpu.memory_space<hbm>>
      %dma_start3A_298 = tpu.memref_slice %arg3[%mul3A_296] : memref<12800000xf32, #tpu.memory_space<hbm>> -> memref<32768xf32, #tpu.memory_space<hbm>>
      tpu.enqueue_dma source(%arg6 : memref<32768xf32, #tpu.memory_space<vmem>>) target(%dma_start3A_298 : memref<32768xf32, #tpu.memory_space<hbm>>) target_semaphore(%arg9 : memref<!tpu.dma_semaphore, #tpu.memory_space<semaphore_mem>>)
      %mul3A_299 = arith.constant 3 : i32
      %mul3A_300 = arith.muli %scan3A_209, %mul3A_299 : i32
      %add3A_301 = arith.constant 2 : i32
      %add3A_302 = arith.addi %mul3A_300, %add3A_301 : i32
      %sub3A_303 = arith.constant 3 : i32
      %sub3A_304 = arith.subi %add3A_302, %sub3A_303 : i32
      %mul3A_305 = arith.constant 16 : i32
      %mul3A_306 = arith.muli %sub3A_304, %mul3A_305 : i32
      %add3A_307 = arith.addi %add3A_4, %mul3A_306 : i32
      %mul3A_308 = arith.constant 16 : i32
      %mul3A_309 = arith.muli %add3A_307, %mul3A_308 : i32
      %mul3A_310 = arith.constant 128 : i32
      %mul3A_311 = arith.muli %mul3A_309, %mul3A_310 : i32
      %dma_wait3A_312 = tpu.memref_slice %arg3[%mul3A_311] : memref<12800000xf32, #tpu.memory_space<hbm>> -> memref<32768xf32, #tpu.memory_space<hbm>>
      %dma_wait3A_313 = tpu.memref_slice %arg3[%mul3A_311] : memref<12800000xf32, #tpu.memory_space<hbm>> -> memref<32768xf32, #tpu.memory_space<hbm>>
      tpu.wait_dma2 semaphore(%arg10 : memref<!tpu.dma_semaphore, #tpu.memory_space<semaphore_mem>>) src(%arg7 : memref<32768xf32, #tpu.memory_space<vmem>>) dst(%dma_wait3A_313 : memref<32768xf32, #tpu.memory_space<hbm>>)
      %sub3A_314 = arith.constant 3 : i32
      %sub3A_315 = arith.subi %add3A_302, %sub3A_314 : i32
      %mul3A_316 = arith.constant 16 : i32
      %mul3A_317 = arith.muli %sub3A_315, %mul3A_316 : i32
      %scan3A_318 = arith.constant 0 : i32
      %scan3A_319 = arith.constant 0 : i32
      %scan3A_320 = arith.constant 4 : i32
      %scan3A_321 = arith.addi %scan3A_319, %scan3A_320 : i32
      %scan3A_322 = arith.constant 1 : i32
      %scan3A_323 = scf.for %scan3A_344 = %scan3A_319 to %scan3A_321 step %scan3A_322 iter_args(%scan3A_345 = %scan3A_318) -> (i32)  : i32 {
        %mul3A_346 = arith.constant 4 : i32
        %mul3A_347 = arith.muli %scan3A_344, %mul3A_346 : i32
        %add3A_348 = arith.constant 0 : i32
        %add3A_349 = arith.addi %mul3A_347, %add3A_348 : i32
        %add3A_350 = arith.addi %mul3A_317, %add3A_349 : i32
        %mul3A_351 = arith.constant 16 : i32
        %mul3A_352 = arith.muli %add3A_350, %mul3A_351 : i32
        %add3A_353 = arith.addi %select_n3A, %mul3A_352 : i32
        %get3A_354 = arith.index_cast %add3A_353 : i32 to index
        %get3A_355 = tpu.vector_load %arg4[%get3A_354] {strides = array<i32>} : memref<3136xi32, #tpu.memory_space<vmem>>, vector<16xi32>,
        %mul3A_356 = arith.constant 2048 : i32
        %mul3A_357 = arith.muli %add3A_349, %mul3A_356 : i32
        %add3A_358 = vector.broadcast %mul3A_357 : i32 to vector<16xi32>
        %add3A_359 = arith.addi %mul3A_22, %add3A_358 : vector<16xi32>
        %add3A_360 = arith.addi %add3A_359, %get3A_355 : vector<16xi32>
        tpu.vector_store_idx %arg7[%add3A_360], %broadcast_in_dim3A_17 : memref<32768xf32, #tpu.memory_space<vmem>>[vector<16xi32>], vector<16xf32>,
        %mul3A_361 = arith.constant 4 : i32
        %mul3A_362 = arith.muli %scan3A_344, %mul3A_361 : i32
        %add3A_363 = arith.constant 1 : i32
        %add3A_364 = arith.addi %mul3A_362, %add3A_363 : i32
        %add3A_365 = arith.addi %mul3A_317, %add3A_364 : i32
        %mul3A_366 = arith.constant 16 : i32
        %mul3A_367 = arith.muli %add3A_365, %mul3A_366 : i32
        %add3A_368 = arith.addi %select_n3A, %mul3A_367 : i32
        %get3A_369 = arith.index_cast %add3A_368 : i32 to index
        %get3A_370 = tpu.vector_load %arg4[%get3A_369] {strides = array<i32>} : memref<3136xi32, #tpu.memory_space<vmem>>, vector<16xi32>,
        %mul3A_371 = arith.constant 2048 : i32
        %mul3A_372 = arith.muli %add3A_364, %mul3A_371 : i32
        %add3A_373 = vector.broadcast %mul3A_372 : i32 to vector<16xi32>
        %add3A_374 = arith.addi %mul3A_22, %add3A_373 : vector<16xi32>
        %add3A_375 = arith.addi %add3A_374, %get3A_370 : vector<16xi32>
        tpu.vector_store_idx %arg7[%add3A_375], %broadcast_in_dim3A_17 : memref<32768xf32, #tpu.memory_space<vmem>>[vector<16xi32>], vector<16xf32>,
        %mul3A_376 = arith.constant 4 : i32
        %mul3A_377 = arith.muli %scan3A_344, %mul3A_376 : i32
        %add3A_378 = arith.constant 2 : i32
        %add3A_379 = arith.addi %mul3A_377, %add3A_378 : i32
        %add3A_380 = arith.addi %mul3A_317, %add3A_379 : i32
        %mul3A_381 = arith.constant 16 : i32
        %mul3A_382 = arith.muli %add3A_380, %mul3A_381 : i32
        %add3A_383 = arith.addi %select_n3A, %mul3A_382 : i32
        %get3A_384 = arith.index_cast %add3A_383 : i32 to index
        %get3A_385 = tpu.vector_load %arg4[%get3A_384] {strides = array<i32>} : memref<3136xi32, #tpu.memory_space<vmem>>, vector<16xi32>,
        %mul3A_386 = arith.constant 2048 : i32
        %mul3A_387 = arith.muli %add3A_379, %mul3A_386 : i32
        %add3A_388 = vector.broadcast %mul3A_387 : i32 to vector<16xi32>
        %add3A_389 = arith.addi %mul3A_22, %add3A_388 : vector<16xi32>
        %add3A_390 = arith.addi %add3A_389, %get3A_385 : vector<16xi32>
        tpu.vector_store_idx %arg7[%add3A_390], %broadcast_in_dim3A_17 : memref<32768xf32, #tpu.memory_space<vmem>>[vector<16xi32>], vector<16xf32>,
        %mul3A_391 = arith.constant 4 : i32
        %mul3A_392 = arith.muli %scan3A_344, %mul3A_391 : i32
        %add3A_393 = arith.constant 3 : i32
        %add3A_394 = arith.addi %mul3A_392, %add3A_393 : i32
        %add3A_395 = arith.addi %mul3A_317, %add3A_394 : i32
        %mul3A_396 = arith.constant 16 : i32
        %mul3A_397 = arith.muli %add3A_395, %mul3A_396 : i32
        %add3A_398 = arith.addi %select_n3A, %mul3A_397 : i32
        %get3A_399 = arith.index_cast %add3A_398 : i32 to index
        %get3A_400 = tpu.vector_load %arg4[%get3A_399] {strides = array<i32>} : memref<3136xi32, #tpu.memory_space<vmem>>, vector<16xi32>,
        %mul3A_401 = arith.constant 2048 : i32
        %mul3A_402 = arith.muli %add3A_394, %mul3A_401 : i32
        %add3A_403 = vector.broadcast %mul3A_402 : i32 to vector<16xi32>
        %add3A_404 = arith.addi %mul3A_22, %add3A_403 : vector<16xi32>
        %add3A_405 = arith.addi %add3A_404, %get3A_400 : vector<16xi32>
        tpu.vector_store_idx %arg7[%add3A_405], %broadcast_in_dim3A_17 : memref<32768xf32, #tpu.memory_space<vmem>>[vector<16xi32>], vector<16xf32>,
        %scan3A_406 = arith.constant 0 : i32
        scf.yield %scan3A_406 : i32
      }
      %scan3A_324 = arith.constant 4 : i32
      %mul3A_325 = arith.constant 16 : i32
      %mul3A_326 = arith.muli %add3A_302, %mul3A_325 : i32
      %scan3A_327 = arith.constant 0 : i32
      %scan3A_328 = arith.constant 0 : i32
      %scan3A_329 = arith.constant 4 : i32
      %scan3A_330 = arith.addi %scan3A_328, %scan3A_329 : i32
      %scan3A_331 = arith.constant 1 : i32
      %scan3A_332 = scf.for %scan3A_344 = %scan3A_328 to %scan3A_330 step %scan3A_331 iter_args(%scan3A_345 = %scan3A_327) -> (i32)  : i32 {
        %mul3A_346 = arith.constant 4 : i32
        %mul3A_347 = arith.muli %scan3A_344, %mul3A_346 : i32
        %add3A_348 = arith.constant 0 : i32
        %add3A_349 = arith.addi %mul3A_347, %add3A_348 : i32
        %add3A_350 = arith.addi %mul3A_326, %add3A_349 : i32
        %mul3A_351 = arith.constant 16 : i32
        %mul3A_352 = arith.muli %add3A_350, %mul3A_351 : i32
        %add3A_353 = arith.addi %select_n3A, %mul3A_352 : i32
        %get3A_354 = arith.index_cast %add3A_353 : i32 to index
        %get3A_355 = tpu.vector_load %arg4[%get3A_354] {strides = array<i32>} : memref<3136xi32, #tpu.memory_space<vmem>>, vector<16xi32>,
        %mul3A_356 = arith.constant 2048 : i32
        %mul3A_357 = arith.muli %add3A_349, %mul3A_356 : i32
        %add3A_358 = vector.broadcast %mul3A_357 : i32 to vector<16xi32>
        %add3A_359 = arith.addi %mul3A_22, %add3A_358 : vector<16xi32>
        %add3A_360 = arith.addi %add3A_359, %get3A_355 : vector<16xi32>
        tpu.vector_store_idx %arg7[%add3A_360], %broadcast_in_dim3A_19 : memref<32768xf32, #tpu.memory_space<vmem>>[vector<16xi32>], vector<16xf32>,
        %mul3A_361 = arith.constant 4 : i32
        %mul3A_362 = arith.muli %scan3A_344, %mul3A_361 : i32
        %add3A_363 = arith.constant 1 : i32
        %add3A_364 = arith.addi %mul3A_362, %add3A_363 : i32
        %add3A_365 = arith.addi %mul3A_326, %add3A_364 : i32
        %mul3A_366 = arith.constant 16 : i32
        %mul3A_367 = arith.muli %add3A_365, %mul3A_366 : i32
        %add3A_368 = arith.addi %select_n3A, %mul3A_367 : i32
        %get3A_369 = arith.index_cast %add3A_368 : i32 to index
        %get3A_370 = tpu.vector_load %arg4[%get3A_369] {strides = array<i32>} : memref<3136xi32, #tpu.memory_space<vmem>>, vector<16xi32>,
        %mul3A_371 = arith.constant 2048 : i32
        %mul3A_372 = arith.muli %add3A_364, %mul3A_371 : i32
        %add3A_373 = vector.broadcast %mul3A_372 : i32 to vector<16xi32>
        %add3A_374 = arith.addi %mul3A_22, %add3A_373 : vector<16xi32>
        %add3A_375 = arith.addi %add3A_374, %get3A_370 : vector<16xi32>
        tpu.vector_store_idx %arg7[%add3A_375], %broadcast_in_dim3A_19 : memref<32768xf32, #tpu.memory_space<vmem>>[vector<16xi32>], vector<16xf32>,
        %mul3A_376 = arith.constant 4 : i32
        %mul3A_377 = arith.muli %scan3A_344, %mul3A_376 : i32
        %add3A_378 = arith.constant 2 : i32
        %add3A_379 = arith.addi %mul3A_377, %add3A_378 : i32
        %add3A_380 = arith.addi %mul3A_326, %add3A_379 : i32
        %mul3A_381 = arith.constant 16 : i32
        %mul3A_382 = arith.muli %add3A_380, %mul3A_381 : i32
        %add3A_383 = arith.addi %select_n3A, %mul3A_382 : i32
        %get3A_384 = arith.index_cast %add3A_383 : i32 to index
        %get3A_385 = tpu.vector_load %arg4[%get3A_384] {strides = array<i32>} : memref<3136xi32, #tpu.memory_space<vmem>>, vector<16xi32>,
        %mul3A_386 = arith.constant 2048 : i32
        %mul3A_387 = arith.muli %add3A_379, %mul3A_386 : i32
        %add3A_388 = vector.broadcast %mul3A_387 : i32 to vector<16xi32>
        %add3A_389 = arith.addi %mul3A_22, %add3A_388 : vector<16xi32>
        %add3A_390 = arith.addi %add3A_389, %get3A_385 : vector<16xi32>
        tpu.vector_store_idx %arg7[%add3A_390], %broadcast_in_dim3A_19 : memref<32768xf32, #tpu.memory_space<vmem>>[vector<16xi32>], vector<16xf32>,
        %mul3A_391 = arith.constant 4 : i32
        %mul3A_392 = arith.muli %scan3A_344, %mul3A_391 : i32
        %add3A_393 = arith.constant 3 : i32
        %add3A_394 = arith.addi %mul3A_392, %add3A_393 : i32
        %add3A_395 = arith.addi %mul3A_326, %add3A_394 : i32
        %mul3A_396 = arith.constant 16 : i32
        %mul3A_397 = arith.muli %add3A_395, %mul3A_396 : i32
        %add3A_398 = arith.addi %select_n3A, %mul3A_397 : i32
        %get3A_399 = arith.index_cast %add3A_398 : i32 to index
        %get3A_400 = tpu.vector_load %arg4[%get3A_399] {strides = array<i32>} : memref<3136xi32, #tpu.memory_space<vmem>>, vector<16xi32>,
        %mul3A_401 = arith.constant 2048 : i32
        %mul3A_402 = arith.muli %add3A_394, %mul3A_401 : i32
        %add3A_403 = vector.broadcast %mul3A_402 : i32 to vector<16xi32>
        %add3A_404 = arith.addi %mul3A_22, %add3A_403 : vector<16xi32>
        %add3A_405 = arith.addi %add3A_404, %get3A_400 : vector<16xi32>
        tpu.vector_store_idx %arg7[%add3A_405], %broadcast_in_dim3A_19 : memref<32768xf32, #tpu.memory_space<vmem>>[vector<16xi32>], vector<16xf32>,
        %scan3A_406 = arith.constant 0 : i32
        scf.yield %scan3A_406 : i32
      }
      %scan3A_333 = arith.constant 4 : i32
      %mul3A_334 = arith.constant 16 : i32
      %mul3A_335 = arith.muli %add3A_302, %mul3A_334 : i32
      %add3A_336 = arith.addi %add3A_4, %mul3A_335 : i32
      %mul3A_337 = arith.constant 16 : i32
      %mul3A_338 = arith.muli %add3A_336, %mul3A_337 : i32
      %mul3A_339 = arith.constant 128 : i32
      %mul3A_340 = arith.muli %mul3A_338, %mul3A_339 : i32
      %dma_start3A_341 = tpu.memref_slice %arg3[%mul3A_340] : memref<12800000xf32, #tpu.memory_space<hbm>> -> memref<32768xf32, #tpu.memory_space<hbm>>
      %dma_start3A_342 = tpu.memref_slice %arg3[%mul3A_340] : memref<12800000xf32, #tpu.memory_space<hbm>> -> memref<32768xf32, #tpu.memory_space<hbm>>
      tpu.enqueue_dma source(%arg7 : memref<32768xf32, #tpu.memory_space<vmem>>) target(%dma_start3A_342 : memref<32768xf32, #tpu.memory_space<hbm>>) target_semaphore(%arg10 : memref<!tpu.dma_semaphore, #tpu.memory_space<semaphore_mem>>)
      %scan3A_343 = arith.constant 0 : i32
      scf.yield %scan3A_343 : i32
    }
    %scan3A_95 = arith.constant 3 : i32
    %sub3A_96 = arith.constant 4 : i32
    %sub3A_97 = arith.subi %add3A_7, %sub3A_96 : i32
    %add3A_98 = arith.constant 144 : i32
    %add3A_99 = arith.addi %add3A_4, %add3A_98 : i32
    %mul3A_100 = arith.constant 16 : i32
    %mul3A_101 = arith.muli %add3A_99, %mul3A_100 : i32
    %mul3A_102 = arith.constant 128 : i32
    %mul3A_103 = arith.muli %mul3A_101, %mul3A_102 : i32
    %dma_wait3A_104 = tpu.memref_slice %arg3[%mul3A_103] : memref<12800000xf32, #tpu.memory_space<hbm>> -> memref<32768xf32, #tpu.memory_space<hbm>>
    %dma_wait3A_105 = tpu.memref_slice %arg3[%mul3A_103] : memref<12800000xf32, #tpu.memory_space<hbm>> -> memref<32768xf32, #tpu.memory_space<hbm>>
    tpu.wait_dma2 semaphore(%arg8 : memref<!tpu.dma_semaphore, #tpu.memory_space<semaphore_mem>>) src(%arg5 : memref<32768xf32, #tpu.memory_space<vmem>>) dst(%dma_wait3A_105 : memref<32768xf32, #tpu.memory_space<hbm>>)
    %scan3A_106 = arith.constant 0 : i32
    %scan3A_107 = arith.constant 0 : i32
    %scan3A_108 = arith.constant 4 : i32
    %scan3A_109 = arith.addi %scan3A_107, %scan3A_108 : i32
    %scan3A_110 = arith.constant 1 : i32
    %scan3A_111 = scf.for %scan3A_209 = %scan3A_107 to %scan3A_109 step %scan3A_110 iter_args(%scan3A_210 = %scan3A_106) -> (i32)  : i32 {
      %mul3A_211 = arith.constant 4 : i32
      %mul3A_212 = arith.muli %scan3A_209, %mul3A_211 : i32
      %add3A_213 = arith.constant 0 : i32
      %add3A_214 = arith.addi %mul3A_212, %add3A_213 : i32
      %add3A_215 = arith.constant 144 : i32
      %add3A_216 = arith.addi %add3A_215, %add3A_214 : i32
      %mul3A_217 = arith.constant 16 : i32
      %mul3A_218 = arith.muli %add3A_216, %mul3A_217 : i32
      %add3A_219 = arith.addi %select_n3A, %mul3A_218 : i32
      %get3A_220 = arith.index_cast %add3A_219 : i32 to index
      %get3A_221 = tpu.vector_load %arg4[%get3A_220] {strides = array<i32>} : memref<3136xi32, #tpu.memory_space<vmem>>, vector<16xi32>,
      %mul3A_222 = arith.constant 2048 : i32
      %mul3A_223 = arith.muli %add3A_214, %mul3A_222 : i32
      %add3A_224 = vector.broadcast %mul3A_223 : i32 to vector<16xi32>
      %add3A_225 = arith.addi %mul3A_22, %add3A_224 : vector<16xi32>
      %add3A_226 = arith.addi %add3A_225, %get3A_221 : vector<16xi32>
      tpu.vector_store_idx %arg5[%add3A_226], %broadcast_in_dim3A_17 : memref<32768xf32, #tpu.memory_space<vmem>>[vector<16xi32>], vector<16xf32>,
      %mul3A_227 = arith.constant 4 : i32
      %mul3A_228 = arith.muli %scan3A_209, %mul3A_227 : i32
      %add3A_229 = arith.constant 1 : i32
      %add3A_230 = arith.addi %mul3A_228, %add3A_229 : i32
      %add3A_231 = arith.constant 144 : i32
      %add3A_232 = arith.addi %add3A_231, %add3A_230 : i32
      %mul3A_233 = arith.constant 16 : i32
      %mul3A_234 = arith.muli %add3A_232, %mul3A_233 : i32
      %add3A_235 = arith.addi %select_n3A, %mul3A_234 : i32
      %get3A_236 = arith.index_cast %add3A_235 : i32 to index
      %get3A_237 = tpu.vector_load %arg4[%get3A_236] {strides = array<i32>} : memref<3136xi32, #tpu.memory_space<vmem>>, vector<16xi32>,
      %mul3A_238 = arith.constant 2048 : i32
      %mul3A_239 = arith.muli %add3A_230, %mul3A_238 : i32
      %add3A_240 = vector.broadcast %mul3A_239 : i32 to vector<16xi32>
      %add3A_241 = arith.addi %mul3A_22, %add3A_240 : vector<16xi32>
      %add3A_242 = arith.addi %add3A_241, %get3A_237 : vector<16xi32>
      tpu.vector_store_idx %arg5[%add3A_242], %broadcast_in_dim3A_17 : memref<32768xf32, #tpu.memory_space<vmem>>[vector<16xi32>], vector<16xf32>,
      %mul3A_243 = arith.constant 4 : i32
      %mul3A_244 = arith.muli %scan3A_209, %mul3A_243 : i32
      %add3A_245 = arith.constant 2 : i32
      %add3A_246 = arith.addi %mul3A_244, %add3A_245 : i32
      %add3A_247 = arith.constant 144 : i32
      %add3A_248 = arith.addi %add3A_247, %add3A_246 : i32
      %mul3A_249 = arith.constant 16 : i32
      %mul3A_250 = arith.muli %add3A_248, %mul3A_249 : i32
      %add3A_251 = arith.addi %select_n3A, %mul3A_250 : i32
      %get3A_252 = arith.index_cast %add3A_251 : i32 to index
      %get3A_253 = tpu.vector_load %arg4[%get3A_252] {strides = array<i32>} : memref<3136xi32, #tpu.memory_space<vmem>>, vector<16xi32>,
      %mul3A_254 = arith.constant 2048 : i32
      %mul3A_255 = arith.muli %add3A_246, %mul3A_254 : i32
      %add3A_256 = vector.broadcast %mul3A_255 : i32 to vector<16xi32>
      %add3A_257 = arith.addi %mul3A_22, %add3A_256 : vector<16xi32>
      %add3A_258 = arith.addi %add3A_257, %get3A_253 : vector<16xi32>
      tpu.vector_store_idx %arg5[%add3A_258], %broadcast_in_dim3A_17 : memref<32768xf32, #tpu.memory_space<vmem>>[vector<16xi32>], vector<16xf32>,
      %mul3A_259 = arith.constant 4 : i32
      %mul3A_260 = arith.muli %scan3A_209, %mul3A_259 : i32
      %add3A_261 = arith.constant 3 : i32
      %add3A_262 = arith.addi %mul3A_260, %add3A_261 : i32
      %add3A_263 = arith.constant 144 : i32
      %add3A_264 = arith.addi %add3A_263, %add3A_262 : i32
      %mul3A_265 = arith.constant 16 : i32
      %mul3A_266 = arith.muli %add3A_264, %mul3A_265 : i32
      %add3A_267 = arith.addi %select_n3A, %mul3A_266 : i32
      %get3A_268 = arith.index_cast %add3A_267 : i32 to index
      %get3A_269 = tpu.vector_load %arg4[%get3A_268] {strides = array<i32>} : memref<3136xi32, #tpu.memory_space<vmem>>, vector<16xi32>,
      %mul3A_270 = arith.constant 2048 : i32
      %mul3A_271 = arith.muli %add3A_262, %mul3A_270 : i32
      %add3A_272 = vector.broadcast %mul3A_271 : i32 to vector<16xi32>
      %add3A_273 = arith.addi %mul3A_22, %add3A_272 : vector<16xi32>
      %add3A_274 = arith.addi %add3A_273, %get3A_269 : vector<16xi32>
      tpu.vector_store_idx %arg5[%add3A_274], %broadcast_in_dim3A_17 : memref<32768xf32, #tpu.memory_space<vmem>>[vector<16xi32>], vector<16xf32>,
      %scan3A_275 = arith.constant 0 : i32
      scf.yield %scan3A_275 : i32
    }
    %scan3A_112 = arith.constant 4 : i32
    %scan3A_113 = arith.constant 0 : i32
    %scan3A_114 = arith.constant 0 : i32
    %mul3A_115 = arith.constant 4 : i32
    %mul3A_116 = arith.muli %scan3A_114, %mul3A_115 : i32
    %add3A_117 = arith.constant 0 : i32
    %add3A_118 = arith.addi %mul3A_116, %add3A_117 : i32
    %add3A_119 = arith.addi %sub3A_97, %add3A_118 : i32
    %mul3A_120 = arith.constant 16 : i32
    %mul3A_121 = arith.muli %add3A_119, %mul3A_120 : i32
    %add3A_122 = arith.addi %select_n3A, %mul3A_121 : i32
    %get3A = arith.index_cast %add3A_122 : i32 to index
    %get3A_123 = tpu.vector_load %arg4[%get3A] {strides = array<i32>} : memref<3136xi32, #tpu.memory_space<vmem>>, vector<16xi32>,
    %mul3A_124 = arith.constant 2048 : i32
    %mul3A_125 = arith.muli %add3A_118, %mul3A_124 : i32
    %add3A_126 = vector.broadcast %mul3A_125 : i32 to vector<16xi32>
    %add3A_127 = arith.addi %mul3A_22, %add3A_126 : vector<16xi32>
    %add3A_128 = arith.addi %add3A_127, %get3A_123 : vector<16xi32>
    tpu.vector_store_idx %arg5[%add3A_128], %broadcast_in_dim3A_19 : memref<32768xf32, #tpu.memory_space<vmem>>[vector<16xi32>], vector<16xf32>,
    %mul3A_129 = arith.constant 4 : i32
    %mul3A_130 = arith.muli %scan3A_114, %mul3A_129 : i32
    %add3A_131 = arith.constant 1 : i32
    %add3A_132 = arith.addi %mul3A_130, %add3A_131 : i32
    %add3A_133 = arith.addi %sub3A_97, %add3A_132 : i32
    %mul3A_134 = arith.constant 16 : i32
    %mul3A_135 = arith.muli %add3A_133, %mul3A_134 : i32
    %add3A_136 = arith.addi %select_n3A, %mul3A_135 : i32
    %get3A_137 = arith.index_cast %add3A_136 : i32 to index
    %get3A_138 = tpu.vector_load %arg4[%get3A_137] {strides = array<i32>} : memref<3136xi32, #tpu.memory_space<vmem>>, vector<16xi32>,
    %mul3A_139 = arith.constant 2048 : i32
    %mul3A_140 = arith.muli %add3A_132, %mul3A_139 : i32
    %add3A_141 = vector.broadcast %mul3A_140 : i32 to vector<16xi32>
    %add3A_142 = arith.addi %mul3A_22, %add3A_141 : vector<16xi32>
    %add3A_143 = arith.addi %add3A_142, %get3A_138 : vector<16xi32>
    tpu.vector_store_idx %arg5[%add3A_143], %broadcast_in_dim3A_19 : memref<32768xf32, #tpu.memory_space<vmem>>[vector<16xi32>], vector<16xf32>,
    %mul3A_144 = arith.constant 4 : i32
    %mul3A_145 = arith.muli %scan3A_114, %mul3A_144 : i32
    %add3A_146 = arith.constant 2 : i32
    %add3A_147 = arith.addi %mul3A_145, %add3A_146 : i32
    %add3A_148 = arith.addi %sub3A_97, %add3A_147 : i32
    %mul3A_149 = arith.constant 16 : i32
    %mul3A_150 = arith.muli %add3A_148, %mul3A_149 : i32
    %add3A_151 = arith.addi %select_n3A, %mul3A_150 : i32
    %get3A_152 = arith.index_cast %add3A_151 : i32 to index
    %get3A_153 = tpu.vector_load %arg4[%get3A_152] {strides = array<i32>} : memref<3136xi32, #tpu.memory_space<vmem>>, vector<16xi32>,
    %mul3A_154 = arith.constant 2048 : i32
    %mul3A_155 = arith.muli %add3A_147, %mul3A_154 : i32
    %add3A_156 = vector.broadcast %mul3A_155 : i32 to vector<16xi32>
    %add3A_157 = arith.addi %mul3A_22, %add3A_156 : vector<16xi32>
    %add3A_158 = arith.addi %add3A_157, %get3A_153 : vector<16xi32>
    tpu.vector_store_idx %arg5[%add3A_158], %broadcast_in_dim3A_19 : memref<32768xf32, #tpu.memory_space<vmem>>[vector<16xi32>], vector<16xf32>,
    %mul3A_159 = arith.constant 4 : i32
    %mul3A_160 = arith.muli %scan3A_114, %mul3A_159 : i32
    %add3A_161 = arith.constant 3 : i32
    %add3A_162 = arith.addi %mul3A_160, %add3A_161 : i32
    %add3A_163 = arith.addi %sub3A_97, %add3A_162 : i32
    %mul3A_164 = arith.constant 16 : i32
    %mul3A_165 = arith.muli %add3A_163, %mul3A_164 : i32
    %add3A_166 = arith.addi %select_n3A, %mul3A_165 : i32
    %get3A_167 = arith.index_cast %add3A_166 : i32 to index
    %get3A_168 = tpu.vector_load %arg4[%get3A_167] {strides = array<i32>} : memref<3136xi32, #tpu.memory_space<vmem>>, vector<16xi32>,
    %mul3A_169 = arith.constant 2048 : i32
    %mul3A_170 = arith.muli %add3A_162, %mul3A_169 : i32
    %add3A_171 = vector.broadcast %mul3A_170 : i32 to vector<16xi32>
    %add3A_172 = arith.addi %mul3A_22, %add3A_171 : vector<16xi32>
    %add3A_173 = arith.addi %add3A_172, %get3A_168 : vector<16xi32>
    tpu.vector_store_idx %arg5[%add3A_173], %broadcast_in_dim3A_19 : memref<32768xf32, #tpu.memory_space<vmem>>[vector<16xi32>], vector<16xf32>,
    %scan3A_174 = arith.constant 0 : i32
    %scan3A_175 = arith.constant 1 : i32
    %add3A_176 = arith.addi %add3A_4, %sub3A_97 : i32
    %mul3A_177 = arith.constant 16 : i32
    %mul3A_178 = arith.muli %add3A_176, %mul3A_177 : i32
    %mul3A_179 = arith.constant 128 : i32
    %mul3A_180 = arith.muli %mul3A_178, %mul3A_179 : i32
    %dma_start3A_181 = arith.constant 0 : i32
    %dma_start3A_182 = tpu.memref_slice %arg5[%dma_start3A_181] : memref<32768xf32, #tpu.memory_space<vmem>> -> memref<8192xf32, #tpu.memory_space<vmem>>
    %dma_start3A_183 = tpu.memref_slice %arg3[%mul3A_180] : memref<12800000xf32, #tpu.memory_space<hbm>> -> memref<8192xf32, #tpu.memory_space<hbm>>
    %dma_start3A_184 = tpu.memref_slice %arg3[%mul3A_180] : memref<12800000xf32, #tpu.memory_space<hbm>> -> memref<8192xf32, #tpu.memory_space<hbm>>
    %dma_start3A_185 = arith.constant 0 : i32
    %dma_start3A_186 = tpu.memref_slice %arg5[%dma_start3A_185] : memref<32768xf32, #tpu.memory_space<vmem>> -> memref<8192xf32, #tpu.memory_space<vmem>>
    tpu.enqueue_dma source(%dma_start3A_186 : memref<8192xf32, #tpu.memory_space<vmem>>) target(%dma_start3A_184 : memref<8192xf32, #tpu.memory_space<hbm>>) target_semaphore(%arg8 : memref<!tpu.dma_semaphore, #tpu.memory_space<semaphore_mem>>)
    %add3A_187 = arith.constant 160 : i32
    %add3A_188 = arith.addi %add3A_4, %add3A_187 : i32
    %mul3A_189 = arith.constant 16 : i32
    %mul3A_190 = arith.muli %add3A_188, %mul3A_189 : i32
    %mul3A_191 = arith.constant 128 : i32
    %mul3A_192 = arith.muli %mul3A_190, %mul3A_191 : i32
    %dma_wait3A_193 = tpu.memref_slice %arg3[%mul3A_192] : memref<12800000xf32, #tpu.memory_space<hbm>> -> memref<32768xf32, #tpu.memory_space<hbm>>
    %dma_wait3A_194 = tpu.memref_slice %arg3[%mul3A_192] : memref<12800000xf32, #tpu.memory_space<hbm>> -> memref<32768xf32, #tpu.memory_space<hbm>>
    tpu.wait_dma2 semaphore(%arg9 : memref<!tpu.dma_semaphore, #tpu.memory_space<semaphore_mem>>) src(%arg6 : memref<32768xf32, #tpu.memory_space<vmem>>) dst(%dma_wait3A_194 : memref<32768xf32, #tpu.memory_space<hbm>>)
    %add3A_195 = arith.constant 176 : i32
    %add3A_196 = arith.addi %add3A_4, %add3A_195 : i32
    %mul3A_197 = arith.constant 16 : i32
    %mul3A_198 = arith.muli %add3A_196, %mul3A_197 : i32
    %mul3A_199 = arith.constant 128 : i32
    %mul3A_200 = arith.muli %mul3A_198, %mul3A_199 : i32
    %dma_wait3A_201 = tpu.memref_slice %arg3[%mul3A_200] : memref<12800000xf32, #tpu.memory_space<hbm>> -> memref<32768xf32, #tpu.memory_space<hbm>>
    %dma_wait3A_202 = tpu.memref_slice %arg3[%mul3A_200] : memref<12800000xf32, #tpu.memory_space<hbm>> -> memref<32768xf32, #tpu.memory_space<hbm>>
    tpu.wait_dma2 semaphore(%arg10 : memref<!tpu.dma_semaphore, #tpu.memory_space<semaphore_mem>>) src(%arg7 : memref<32768xf32, #tpu.memory_space<vmem>>) dst(%dma_wait3A_202 : memref<32768xf32, #tpu.memory_space<hbm>>)
    %dma_wait3A_203 = arith.constant 0 : i32
    %dma_wait3A_204 = tpu.memref_slice %arg5[%dma_wait3A_203] : memref<32768xf32, #tpu.memory_space<vmem>> -> memref<8192xf32, #tpu.memory_space<vmem>>
    %dma_wait3A_205 = tpu.memref_slice %arg3[%mul3A_180] : memref<12800000xf32, #tpu.memory_space<hbm>> -> memref<8192xf32, #tpu.memory_space<hbm>>
    %dma_wait3A_206 = tpu.memref_slice %arg3[%mul3A_180] : memref<12800000xf32, #tpu.memory_space<hbm>> -> memref<8192xf32, #tpu.memory_space<hbm>>
    %dma_wait3A_207 = arith.constant 0 : i32
    %dma_wait3A_208 = tpu.memref_slice %arg5[%dma_wait3A_207] : memref<32768xf32, #tpu.memory_space<vmem>> -> memref<8192xf32, #tpu.memory_space<vmem>>
    tpu.wait_dma2 semaphore(%arg8 : memref<!tpu.dma_semaphore, #tpu.memory_space<semaphore_mem>>) src(%dma_wait3A_208 : memref<8192xf32, #tpu.memory_space<vmem>>) dst(%dma_wait3A_206 : memref<8192xf32, #tpu.memory_space<hbm>>)
    return
  }
}

</mosaic_0001>

<sc_bundles>
// kernel: kernel.3.cloned.1.call-start
scs
__scs_entry_jumppad:
0x0: {  	(pc) =	sbr.rel $0x88, $3  }
0x1: {  	(tag) =	ssettag $0x0;
	lr =	simm.s32 $0x1  }
0x2: {  	[smem:$0x3FA0] =	sst lr;
	_ =	strace $0xD0000000  }
0x3: {  	_ = 	snop  }
0x4: {  	_ = 	snop  }
0x5: {  	_ = 	snop  }
0x6: {  	_ = 	snop  }
0x7: {  	_ = 	snop  }
__scs_overlays_trampoline_lowered:
0x8: {  	[smem:$0x3FAF] =	sst s0  }
0x9: {  	[smem:$0x3FB0] =	sst s1  }
0xa: {  	[smem:$0x3FB1] =	sst s2  }
0xb: {  	[smem:$0x3FB2] =	sst s3  }
0xc: {  	[smem:$0x3FB3] =	sst s4  }
0xd: {  	[smem:$0x3FB4] =	sst s5  }
0xe: {  	[smem:$0x3FB5] =	sst s6  }
0xf: {  	[smem:$0x3FB6] =	sst s7  }
0x10: {  	[smem:$0x3FB7] =	sst s8  }
0x11: {  	[smem:$0x3FB8] =	sst s9;
	s0 =	simm.s32 @!p0 $0x0  }
0x12: {  	s1 =	sld [smem:$0x3F9E];
	s0 =	simm.s32 @p0 $0x1  }
0x13: {  	[smem:$0x3FB9] =	sst s0;
	s0 =	simm.s32 @!p1 $0x0  }
0x14: {  	s2 =	sld [smem:$0x3F9D];
	s0 =	simm.s32 @p1 $0x1  }
0x15: {  	[smem:$0x3FBA] =	sst s0;
	s0 =	simm.s32 @!p2 $0x0  }
0x16: {  	s3 =	sld [smem:$0x3FDB];
	s0 =	simm.s32 @p2 $0x1  }
0x17: {  	s4 =	simm.s32 $0x1BF5;
	[smem:$0x3FBC] =	sst s0  }
0x18: {  	s0 =	sld [smem:$0x3F9F];
	_ =	swait.ge [sflag:s4], $0x0  }
0x19: {  	s7 =	sld [smem:$0x3FA0]  }
0x1a: {  	s8 =	sadd.s32 $0xFFFFE003, lr  }
0x1b: {  	s9 =	sadd.s32 $0xFFFFFEF7, lr;
	s5 =	simm.s32 $0xFFFFFFFF;
	p2 =	slt.u32 s8, $0xFFFFF086  }
0x1c: {  	p1 =	slt.u32 s9, $0xF7A;
	s5 =	simm.s32 @!p2 $0x0  }
0x1d: {  	s5 =	simm.s32 @p1 $0x1;
	p0 =	seq.s32 s7, s2  }
0x1e: {  	s7 =	smul.u32 @!p0 $0xF7A, s2;
	p2 =	seq.s32 @!p0 s5, $0x0  }
0x1f: {  	s9 =	smul.u32 $0xF7A, s1;
	s8 =	simm.s32 @!p0 $0x1BF5;
	p2 =	por !p2, p0  }
0x20: {  	[sflag:s8] =	ssyncset.s32 @!p0 $0xFFFFF086;
	s6 =	sadd.s32 @!p0 s3, s7;
	s7 =	simm.s32 @!p0 $0x108  }
0x21: {  	s3 =	sadd.s32 s3, s9;
	s6 =	sadd.s32 @!p0 $0x88, s6;
	s7 =	simm.s32 @p2 $0x1082  }
0x22: {  	[simem:s7], [sflag:s8] =	dma.local @!p0 [hbm:s6], $0xF7A  }
0x23: {  	s9 =	sor.u32 $0xD0000000, s2;
	s6 =	simm.s32 $0x108;
	_ =	swait.ge @!p0 [sflag:s8], $0x0  }
0x24: {  	s3 =	sadd.s32 $0x88, s3;
	s6 =	simm.s32 @!p1 $0x1082;
	[sflag:s4] =	ssyncset.s32 $0xFFFFF086  }
0x25: {  	[simem:s6], [sflag:s4] =	dma.local [hbm:s3], $0xF7A  }
0x26: {  	[smem:$0x3FA0] =	sst s1;
	(tag) =	ssettag s2;
	_ =	strace s9  }
0x27: {  	s1 =	sld [smem:$0x3FB0]  }
0x28: {  	s2 =	sld [smem:$0x3FB1]  }
0x29: {  	s4 =	sld [smem:$0x3FB3]  }
0x2a: {  	p0 =	seq.s32 s5, $0x0;
	s5 =	sld [smem:$0x3FB4]  }
0x2b: {  	s6 =	sld [smem:$0x3FB5]  }
0x2c: {  	s7 =	sld [smem:$0x3FB6]  }
0x2d: {  	s3 =	simm.s32 $0x108;
	s8 =	sld [smem:$0x3FB7]  }
0x2e: {  	s3 =	simm.s32 @!p0 $0x1082;
	s9 =	sld [smem:$0x3FB8]  }
0x2f: {  	lr =	sadd.s32 s0, s3;
	s0 =	sld [smem:$0x3FAF]  }
0x30: {  	s3 =	sld [smem:$0x3FB2]  }
0x31: {  	[smem:$0x3FBB] =	sst s10  }
0x32: {  	s10 =	sld [smem:$0x3FB9];
	_ =	sdelay $0x3  }
0x33: {  	p0 =	seq.s32 s10, $0x1;
	s10 =	sld [smem:$0x3FBB];
	_ =	sdelay $0x3  }
0x34: {  	[smem:$0x3FBB] =	sst s10  }
0x35: {  	s10 =	sld [smem:$0x3FBA];
	_ =	sdelay $0x3  }
0x36: {  	p1 =	seq.s32 s10, $0x1;
	s10 =	sld [smem:$0x3FBB];
	_ =	sdelay $0x3  }
0x37: {  	[smem:$0x3FBB] =	sst s10  }
0x38: {  	s10 =	sld [smem:$0x3FBC]  }
0x39: {  	_ = 	snop;
	(pc) =	sbr.ind lr, $3  }
0x3a: {  	_ = 	snop  }
0x3b: {  	_ = 	snop  }
0x3c: {  	p2 =	seq.s32 s10, $0x1;
	s10 =	sld [smem:$0x3FBB]  }
0x3d: {  	_ =	shalt  }
0x3e: {  	_ =	shalt  }
0x3f: {  	_ =	shalt  }
0x40: {  	_ =	shalt  }
0x41: {  	_ =	shalt  }
0x42: {  	_ =	shalt  }
0x43: {  	_ =	shalt  }
0x44: {  	_ =	shalt  }
0x45: {  	_ =	shalt  }
0x46: {  	_ =	shalt  }
0x47: {  	_ =	shalt  }
0x48: {  	_ =	shalt  }
0x49: {  	_ =	shalt  }
0x4a: {  	_ =	shalt  }
0x4b: {  	_ =	shalt  }
0x4c: {  	_ =	shalt  }
0x4d: {  	_ =	shalt  }
0x4e: {  	_ =	shalt  }
0x4f: {  	_ =	shalt  }
0x50: {  	_ =	shalt  }
0x51: {  	_ =	shalt  }
0x52: {  	_ =	shalt  }
0x53: {  	_ =	shalt  }
0x54: {  	_ =	shalt  }
0x55: {  	_ =	shalt  }
0x56: {  	_ =	shalt  }
0x57: {  	_ =	shalt  }
0x58: {  	_ =	shalt  }
0x59: {  	_ =	shalt  }
0x5a: {  	_ =	shalt  }
0x5b: {  	_ =	shalt  }
0x5c: {  	_ =	shalt  }
0x5d: {  	_ =	shalt  }
0x5e: {  	_ =	shalt  }
0x5f: {  	_ =	shalt  }
0x60: {  	_ =	shalt  }
0x61: {  	_ =	shalt  }
0x62: {  	_ =	shalt  }
0x63: {  	_ =	shalt  }
0x64: {  	_ =	shalt  }
0x65: {  	_ =	shalt  }
0x66: {  	_ =	shalt  }
0x67: {  	_ =	shalt  }
0x68: {  	_ =	shalt  }
0x69: {  	_ =	shalt  }
0x6a: {  	_ =	shalt  }
0x6b: {  	_ =	shalt  }
0x6c: {  	_ =	shalt  }
0x6d: {  	_ =	shalt  }
0x6e: {  	_ =	shalt  }
0x6f: {  	_ =	shalt  }
0x70: {  	_ =	shalt  }
0x71: {  	_ =	shalt  }
0x72: {  	_ =	shalt  }
0x73: {  	_ =	shalt  }
0x74: {  	_ =	shalt  }
0x75: {  	_ =	shalt  }
0x76: {  	_ =	shalt  }
0x77: {  	_ =	shalt  }
0x78: {  	_ =	shalt  }
0x79: {  	_ =	shalt  }
0x7a: {  	_ =	shalt  }
0x7b: {  	_ =	shalt  }
0x7c: {  	_ =	shalt  }
0x7d: {  	_ =	shalt  }
0x7e: {  	_ =	shalt  }
0x7f: {  	_ =	shalt  }
0x80: {  	_ =	shalt  }
0x81: {  	_ =	shalt  }
0x82: {  	_ =	shalt  }
0x83: {  	_ =	shalt  }
0x84: {  	_ =	shalt  }
0x85: {  	_ =	shalt  }
0x86: {  	_ =	shalt  }
0x87: {  	_ =	shalt  }
.Lfunc_end0:
.L_simem_size_0:
called_computation_lowered:
.L_overlay_start_0:
0x88: {  	s2 =	sld [smem:$0x3FD9]  }
0x89: {  	s3 =	sld [smem:$0x3FFE];
	_ =	sdelay $0x1  }
0x8a: {  	s1 =	srdreg.scid  }
0x8b: {  	s0 =	sand.u32 $0x1, s1  }
0x8c: {  	s17 =	sshll.u32 s0, $0xA;
	s2 =	sadd.s32 s3, s2  }
0x8d: {  	s2 =	sadd.s32 s2, s17  }
0x8e: {  	[smem:$0x3FC7] =	sst s2  }
0x8f: {  	_ = 	snop  }
0x90: {  	s2 =	sld [smem:$0x3FD0];
	(tm) =	ssettm $0x1  }
0x91: {  	s18 =	sld [smem:$0x3FFB];
	_ =	sdelay $0x3  }
0x92: {  	_ =	strace s18  }
0x93: {  	s3 =	sld [smem:$0x3FFC];
	_ =	sdelay $0x3  }
0x94: {  	_ =	strace s3  }
0x95: {  	s3 =	sld [smem:$0x3FFD];
	_ =	sdelay $0x3  }
0x96: {  	_ =	strace s3  }
0x97: {  	_ =	strace $0x8FFFFFFF  }
0x98: {  	s19 =	sld [smem:$0x3FDB];
	_ =	sdelay $0x1  }
0x99: {  	s4 =	simm.s32 $_scs_section_size  }
0x9a: {  	s5 =	simm.s32 $_size__tile_overlayer_lowered;
	s6 =	simm.s32 $_tile_overlayer_lowered  }
0x9b: {  	s22 =	simm.s32 $0x1BFF;
	s21 =	sshll.u32 s6, $0x1;
	s3 =	sadd.s32 s4, s19  }
0x9c: {  	s7 =	simm.s32 $0x0;
	s20 =	sshll.u32 s5, $0x1;
	s5 =	sadd.s32 s21, s3  }
0x9d: {  	[timem:s7], [sflag:s22] =	dma.local [hbm:s5], s20  }
0x9e: {  	_ =	swait.ge [sflag:s22], s20  }
0x9f: {  	s4 =	ssub.s32 $0x0, s20;
	[sflag:s22] =	ssyncset.done $0x0  }
0xa0: {  	[sflag:s22] =	ssyncadd.s32 s4;
	_ =	sdelay $0x1  }
0xa1: {  	s23 =	simm.s32 $0x1B8B  }
0xa2: {  	_ =	swait.ge [sflag:s23], $0x1  }
0xa3: {  	[sflag:s23] =	ssyncset.done $0x0  }
0xa4: {  	s25 =	simm.s32 $0x1B8E;
	s24 =	sld [smem:$0x3FFE];
	[sflag:s23] =	ssyncadd.s32 $0xFFFFFFFF  }
0xa5: {  	s26 =	simm.s32 $execute0_lowered;
	[smem:$0x3FD2] =	sst s25  }
0xa6: {  	s5 =	sshll.u32 s26, $0x1;
	_ =	strace $0x80000046;
	[dreg:$0x1] =	wrdreg $0xFFFFFFFF  }
0xa7: {  	s28 =	simm.s32 $_size_execute0_lowered;
	s3 =	sadd.s32 s3, s5;
	[dreg:$0x0] =	wrdreg $0x0  }
0xa8: {  	s5 =	sshll.u32 s28, $0x1;
	[dreg:$0x2] =	wrdreg s3  }
0xa9: {  	[dreg:$0x3] =	wrdreg s5  }
0xaa: {  	[dreg:$0x4] =	wrdreg $0xC0  }
0xab: {  	_ =	task [dreg:s7], $0x5FFFF  }
0xac: {  	[dreg:$0x1] =	wrdreg $0xFFFFFFFF  }
0xad: {  	[dreg:$0x0] =	wrdreg $0x60  }
0xae: {  	[dreg:$0x2] =	wrdreg s24  }
0xaf: {  	[dreg:$0x3] =	wrdreg s2  }
0xb0: {  	[dreg:$0x4] =	wrdreg $0x9  }
0xb1: {  	_ =	task.clear_ibuf [dreg:s7], $0x5FFFF;
	_ =	strace $0x90000046  }
0xb2: {  	s29 =	simm.s32 $0x9;
	_ =	strace $0x80000048  }
0xb3: {  	_ =	swait.ge [sflag:s29], $0x1  }
0xb4: {  	[sflag:s29] =	ssyncadd.s32 $0xFFFFFFFF  }
0xb5: {  	_ =	strace $0x90000048  }
0xb6: {  	_ =	sfence  }
0xb7: {  	s30 =	sld [smem:$0x0];
	_ =	sdelay $0x2  }
0xb8: {  	s31 =	sshll.u32 s1, $0xD;
	s1 =	sshrl.u32 s1, $0x2  }
0xb9: {  	s3 =	sand.u32 $0x4000, s31;
	s1 =	sadd.s32 s1, s30  }
0xba: {  	s0 =	sor.u32 s3, s0;
	s1 =	sshll.u32 s1, $0x11  }
0xbb: {  	s0 =	sor.u32 s1, s0  }
0xbc: {  	s0 =	sadd.s32 $0x8F2B, s0  }
0xbd: {  	[sflag:s0] =	ssyncadd.remote.s32 $0x1  }
0xbe: {  	_ =	sfence.sel $0xFFFF  }
0xbf: {  	[dreg:$0x0] =	wrdreg $0xFFFFFFFF;
	(pc) =	sbr.abs _section_cstart, $3  }
0xc0: {  	[dreg:$0x1] =	wrdreg $0xFFFFFFFF  }
0xc1: {  	_ =	task.clear_ibuf [dreg:s7], $0x2FFFF;
	_ =	strace $0x9FFFFFFF  }
0xc2: {  	(tm) =	ssettm $0x7FFFFFFF  }
0xc3: {  	_ =	shalt  }
tec
execute0_lowered:
.L_overlay_start_1:
0x0: {  	(tag) =	ssettag $0x1  }
0x1: {  	s0 =	srdreg.scid  }
0x2: {  	s7 =	stileid.u32;
	s1 =	rddreg [dreg:$0x0]  }
0x3: {  	s2 =	rddreg [dreg:$0x1];
	s8 =	simm.s32 $0x10;
	s28 =	simm.s32 $0x1  }
0x4: {  	s29 =	simm.s32 $0x2;
	s0 =	sand.u32 $0x1, s0;
	s3 =	sshll.u32 s7, $0x1  }
0x5: {  	s30 =	simm.s32 $0x3;
	s31 =	simm.s32 $0x0;
	s4 =	sor.u32 s0, s3  }
0x6: {  	s3 =	simm.s32 $0x0;
	s0 =	ssub.s32 $0x2, s0;
	s5 =	smul.u32 $0xC3, s4  }
0x7: {  	[smem:$0x7FF] =	sst s3;
	s4 =	smin.u32 s4, $0xA;
	s6 =	sshrl.u32 s0, $0x1  }
0x8: {  	_ =	strace $0x80000047;
	s0 =	ssub.s32 s0, s6;
	s4 =	sadd.s32 s4, s5  }
0x9: {  	s5 =	simm.s32 $0x10;
	s0 =	smax.u32 s0, $0x1;
	p0 =	sgt.u32 s4, $0x17A6  }
0xa: {  	s19 =	sshll.u32 s4, $0x4;
	s20 =	sshll.u32 s4, $0x8;
	s5 =	simm.s32 @!p0 $0x0  }
0xb: {  	[dreg:$0xa] =	wrdreg s0;
	p0 =	slt.u32 s7, $0x5;
	s6 =	ssub.s32 s19, s5  }
0xc: {  	s8 =	simm.s32 @!p0 $0x0;
	s11 =	sor.u32 $0x20, s5;
	s24 =	sadd.s32 $0x330, s5  }
0xd: {  	s25 =	sadd.s32 $0x430, s5;
	s0 =	sadd.s32 $0x530, s5;
	s9 =	sshrl.u32 s6, $0x3  }
0xe: {  	s6 =	sadd.s32 s2, s20;
	s22 =	sadd.s32 s8, s5;
	[dreg:$0xb] =	wrdreg s24  }
0xf: {  	s8 =	simm.s32 $0x30;
	[dreg:$0xc] =	wrdreg s25;
	s24 =	simm.s32 $0x8C80  }
0x10: {  	s1 =	sadd.s32 s1, s9;
	s21 =	sadd.s32 $0x1000, s6;
	[dreg:$0x6] =	wrdreg s22  }
0x11: {  	s7 =	sadd.s32 $0x2000, s6;
	s8 =	simm.s32 @!p0 $0x20;
	[dreg:$0x3] =	wrdreg s1  }
0x12: {  	s9 =	sadd.s32 $0x130, s5;
	s22 =	simm.s32 $0x4;
	[dreg:$0x4] =	wrdreg s21  }
0x13: {  	s1 =	simm.s32 $0xC0;
	[dreg:$0x5] =	wrdreg s7;
	s7 =	simm.s32 $0x20  }
0x14: {  	s23 =	sadd.s32 s8, s5;
	s21 =	sadd.s32 $0x930, s5;
	s1 =	simm.s32 @!p0 $0xBF  }
0x15: {  	s7 =	simm.s32 @!p0 $0x10;
	s12 =	sshll.u32 s1, $0x6;
	s1 =	sadd.s32 s1, s4  }
0x16: {  	v0 =	vlaneseq.u32;
	[dreg:$0x8] =	wrdreg s23;
	s7 =	sadd.s32 s7, s5;
	s1 =	sshll.u32 s1, $0x8  }
0x17: {  	v0 =	vmul.u32 $0x80, v0;
	s23 =	simm.s32 $0xC80;
	[dreg:$0x7] =	wrdreg s7;
	s1 =	sand.u32 $0x1FFFFF00, s1  }
0x18: {  	v1 =	vimm.f32 $0.0e+00;
	v2 =	vimm.f32 $1.000000000e+00;
	s7 =	sadd.s32 $0x230, s5;
	s26 =	sshrl.u32 s12, $0x2;
	s1 =	sadd.s32 s2, s1  }
0x19: {  	v3 =	vor.u32 $0x800, v0;
	v4 =	vor.u32 $0x1000, v0;
	v5 =	vor.u32 $0x1800, v0;
	s25 =	sadd.s32 s26, s5;
	s26 =	simm.s32 $0x10C80;
	[dreg:$0x9] =	wrdreg s1  }
.LBB2_1:
0x1a: {  	s1 =	rddreg [dreg:$0x3]  }
0x1b: {  	[tilespmem:s3], [sflag:$0x4] =	stream.linear.gather [hbm4b:s1+s3], $0xC40, $0x38;
	[tilespmem:$0x18C80] =	vst v63  }
0x1c: {  	s12 =	simm.s32 $0x400;
	s1 =	simm.s32 $0x0  }
.LBB2_2:
0x1d: {  	p0 =	sne.s32 s12, $0x1FC00;
	[tilespmem:s1+$0xD70] =	vst v1  }
0x1e: {  	[tilespmem:s1+$0xC80] =	vst v1  }
0x1f: {  	[tilespmem:s1+$0xC90] =	vst v1  }
0x20: {  	[tilespmem:s1+$0xCA0] =	vst v1  }
0x21: {  	[tilespmem:s1+$0xCB0] =	vst v1  }
0x22: {  	[tilespmem:s1+$0xCC0] =	vst v1  }
0x23: {  	[tilespmem:s1+$0xCD0] =	vst v1  }
0x24: {  	[tilespmem:s1+$0xCE0] =	vst v1  }
0x25: {  	[tilespmem:s1+$0xCF0] =	vst v1  }
0x26: {  	[tilespmem:s1+$0xD00] =	vst v1  }
0x27: {  	[tilespmem:s1+$0xD10] =	vst v1  }
.Ltmp0:
0x28: {  	[tilespmem:s1+$0xD20] =	vst v1;
	(pc) =	sbr.rel @p0 .LBB2_2-.Ltmp0, $4  }
0x29: {  	[tilespmem:s1+$0xD30] =	vst v1  }
0x2a: {  	[tilespmem:s1+$0xD40] =	vst v1  }
0x2b: {  	[tilespmem:s1+$0xD50] =	vst v1  }
0x2c: {  	[tilespmem:s1+$0xD60] =	vst v1;
	s1 =	sshra.s32 s12, $0x2;
	s12 =	sadd.s32 $0x400, s12  }
0x2d: {  	[tilespmem:s1+$0xD70] =	vst v1  }
0x2e: {  	[tilespmem:s1+$0xC80] =	vst v1  }
0x2f: {  	[tilespmem:s1+$0xC90] =	vst v1  }
0x30: {  	[tilespmem:s1+$0xCA0] =	vst v1  }
0x31: {  	[tilespmem:s1+$0xCB0] =	vst v1  }
0x32: {  	[tilespmem:s1+$0xCC0] =	vst v1  }
0x33: {  	[tilespmem:s1+$0xCD0] =	vst v1  }
0x34: {  	[tilespmem:s1+$0xCE0] =	vst v1  }
0x35: {  	[tilespmem:s1+$0xCF0] =	vst v1  }
0x36: {  	[tilespmem:s1+$0xD00] =	vst v1  }
0x37: {  	[tilespmem:s1+$0xD10] =	vst v1  }
0x38: {  	[tilespmem:s1+$0xD20] =	vst v1  }
0x39: {  	[tilespmem:s1+$0xD30] =	vst v1  }
0x3a: {  	[tilespmem:s1+$0xD40] =	vst v1  }
0x3b: {  	[tilespmem:s1+$0xD50] =	vst v1  }
0x3c: {  	[tilespmem:s1+$0xD60] =	vst v1  }
0x3d: {  	_ =	swait.ge [sflag:s22], $0xC40  }
0x3e: {  	[sflag:s22] =	ssyncset.done $0x0  }
0x3f: {  	s1 =	simm.s32 $0x0;
	s12 =	smov.u32 s11;
	[sflag:s22] =	ssyncadd.s32 $0xFFFFF3C0  }
.LBB2_4:
0x40: {  	v6 =	vld [tilespmem:s12+$0xFFFFFFE0];
	_ =	sdelay $0x4  }
0x41: {  	v6 =	vadd.s32 s1, v6  }
0x42: {  	v6 =	vadd.s32 v0, v6;
	_ =	sdelay $0x4  }
0x43: {  	[tilespmem:v6+s23+$0x0] =	vst.idx.msk $0xffff, v2  }
0x44: {  	v6 =	vld [tilespmem:s12+$0xFFFFFFF0];
	_ =	sdelay $0x3  }
0x45: {  	s8 =	sadd.s32 $0x800, s1  }
0x46: {  	v6 =	vadd.s32 s8, v6  }
0x47: {  	v6 =	vadd.s32 v0, v6;
	_ =	sdelay $0x4  }
0x48: {  	[tilespmem:v6+s23+$0x0] =	vst.idx.msk $0xffff, v2  }
0x49: {  	v6 =	vld [tilespmem:s12+$0x0];
	_ =	sdelay $0x3  }
0x4a: {  	s19 =	sadd.s32 $0x1000, s1  }
0x4b: {  	v6 =	vadd.s32 s19, v6  }
0x4c: {  	v6 =	vadd.s32 v0, v6;
	_ =	sdelay $0x4  }
0x4d: {  	[tilespmem:v6+s23+$0x0] =	vst.idx.msk $0xffff, v2  }
0x4e: {  	v6 =	vld [tilespmem:s12+$0x10];
	_ =	sdelay $0x3  }
0x4f: {  	s20 =	sadd.s32 $0x1800, s1  }
0x50: {  	v6 =	vadd.s32 s20, v6  }
0x51: {  	p0 =	sne.s32 s1, $0x6000;
	v6 =	vadd.s32 v0, v6  }
.Ltmp1:
0x52: {  	_ = 	snop;
	(pc) =	sbr.rel @p0 .LBB2_4-.Ltmp1, $2  }
0x53: {  	_ =	sdelay $0x2  }
0x54: {  	s1 =	sadd.s32 $0x2000, s1;
	s12 =	sadd.s32 $0x40, s12;
	[tilespmem:v6+s23+$0x0] =	vst.idx.msk $0xffff, v2  }
0x55: {  	s1 =	simm.s32 $0x0;
	s12 =	simm.s32 $0x0;
	s13 =	simm.s32 $0x400  }
0x56: {  	[hbm4b:s6+s1] =	stream.linear.scatter [tilespmem:s23], [sflag:$0x1], $0x8000, $0x38;
	[tilespmem:$0x18C80] =	vst v63  }
.LBB2_6:
0x57: {  	p0 =	sne.s32 s13, $0x1FC00;
	[tilespmem:s12+$0x8D70] =	vst v1  }
0x58: {  	[tilespmem:s12+$0x8C80] =	vst v1  }
0x59: {  	[tilespmem:s12+$0x8C90] =	vst v1  }
0x5a: {  	[tilespmem:s12+$0x8CA0] =	vst v1  }
0x5b: {  	[tilespmem:s12+$0x8CB0] =	vst v1  }
0x5c: {  	[tilespmem:s12+$0x8CC0] =	vst v1  }
0x5d: {  	[tilespmem:s12+$0x8CD0] =	vst v1  }
0x5e: {  	[tilespmem:s12+$0x8CE0] =	vst v1  }
0x5f: {  	[tilespmem:s12+$0x8CF0] =	vst v1  }
0x60: {  	[tilespmem:s12+$0x8D00] =	vst v1  }
0x61: {  	[tilespmem:s12+$0x8D10] =	vst v1  }
.Ltmp2:
0x62: {  	[tilespmem:s12+$0x8D20] =	vst v1;
	(pc) =	sbr.rel @p0 .LBB2_6-.Ltmp2, $4  }
0x63: {  	[tilespmem:s12+$0x8D30] =	vst v1  }
0x64: {  	[tilespmem:s12+$0x8D40] =	vst v1  }
0x65: {  	[tilespmem:s12+$0x8D50] =	vst v1  }
0x66: {  	[tilespmem:s12+$0x8D60] =	vst v1;
	s12 =	sshra.s32 s13, $0x2;
	s13 =	sadd.s32 $0x400, s13  }
0x67: {  	[tilespmem:s12+$0x8D70] =	vst v1  }
0x68: {  	[tilespmem:s12+$0x8C80] =	vst v1  }
0x69: {  	[tilespmem:s12+$0x8C90] =	vst v1  }
0x6a: {  	[tilespmem:s12+$0x8CA0] =	vst v1  }
0x6b: {  	[tilespmem:s12+$0x8CB0] =	vst v1  }
0x6c: {  	[tilespmem:s12+$0x8CC0] =	vst v1  }
0x6d: {  	[tilespmem:s12+$0x8CD0] =	vst v1  }
0x6e: {  	[tilespmem:s12+$0x8CE0] =	vst v1  }
0x6f: {  	[tilespmem:s12+$0x8CF0] =	vst v1  }
0x70: {  	[tilespmem:s12+$0x8D00] =	vst v1  }
0x71: {  	[tilespmem:s12+$0x8D10] =	vst v1  }
0x72: {  	[tilespmem:s12+$0x8D20] =	vst v1  }
0x73: {  	[tilespmem:s12+$0x8D30] =	vst v1  }
0x74: {  	[tilespmem:s12+$0x8D40] =	vst v1  }
0x75: {  	[tilespmem:s12+$0x8D50] =	vst v1  }
0x76: {  	[tilespmem:s12+$0x8D60] =	vst v1;
	s12 =	smov.u32 s9;
	s13 =	simm.s32 $0x0  }
.LBB2_8:
0x77: {  	s8 =	sand.u32 $0xC0, s1  }
0x78: {  	s8 =	sor.u32 s5, s8  }
0x79: {  	v6 =	vld [tilespmem:s8+$0x100];
	_ =	sdelay $0x4  }
0x7a: {  	v6 =	vadd.s32 s13, v6  }
0x7b: {  	v6 =	vadd.s32 v0, v6;
	_ =	sdelay $0x4  }
0x7c: {  	[tilespmem:v6+s24+$0x0] =	vst.idx.msk $0xffff, v2  }
0x7d: {  	v6 =	vld [tilespmem:s12+$0xFFFFFFE0];
	_ =	sdelay $0x3  }
0x7e: {  	s18 =	sadd.s32 $0x800, s13  }
0x7f: {  	v6 =	vadd.s32 s18, v6  }
0x80: {  	v6 =	vadd.s32 v0, v6;
	_ =	sdelay $0x4  }
0x81: {  	[tilespmem:v6+s24+$0x0] =	vst.idx.msk $0xffff, v2  }
0x82: {  	v6 =	vld [tilespmem:s12+$0xFFFFFFF0];
	_ =	sdelay $0x3  }
0x83: {  	s19 =	sadd.s32 $0x1000, s13  }
0x84: {  	v6 =	vadd.s32 s19, v6  }
0x85: {  	v6 =	vadd.s32 v0, v6;
	_ =	sdelay $0x4  }
0x86: {  	[tilespmem:v6+s24+$0x0] =	vst.idx.msk $0xffff, v2  }
0x87: {  	v6 =	vld [tilespmem:s12+$0x0];
	_ =	sdelay $0x3  }
0x88: {  	s20 =	sadd.s32 $0x1800, s13  }
0x89: {  	v6 =	vadd.s32 s20, v6  }
0x8a: {  	p0 =	sne.s32 s13, $0x6000;
	v6 =	vadd.s32 v0, v6  }
.Ltmp3:
0x8b: {  	_ = 	snop;
	(pc) =	sbr.rel @p0 .LBB2_8-.Ltmp3, $2  }
0x8c: {  	_ =	sdelay $0x2  }
0x8d: {  	s1 =	sadd.s32 $0x40, s1;
	s13 =	sadd.s32 $0x2000, s13;
	s12 =	sadd.s32 $0x40, s12;
	[tilespmem:v6+s24+$0x0] =	vst.idx.msk $0xffff, v2  }
0x8e: {  	s1 =	simm.s32 $0x0  }
0x8f: {  	s8 =	rddreg [dreg:$0x4];
	s12 =	simm.s32 $0x0;
	s13 =	simm.s32 $0x400  }
0x90: {  	[hbm4b:s8+s1] =	stream.linear.scatter [tilespmem:s24], [sflag:$0x2], $0x8000, $0x38;
	[tilespmem:$0x18C80] =	vst v63  }
.LBB2_10:
0x91: {  	p0 =	sne.s32 s13, $0x1FC00;
	[tilespmem:s12+$0x10D70] =	vst v1  }
0x92: {  	[tilespmem:s12+$0x10C80] =	vst v1  }
0x93: {  	[tilespmem:s12+$0x10C90] =	vst v1  }
0x94: {  	[tilespmem:s12+$0x10CA0] =	vst v1  }
0x95: {  	[tilespmem:s12+$0x10CB0] =	vst v1  }
0x96: {  	[tilespmem:s12+$0x10CC0] =	vst v1  }
0x97: {  	[tilespmem:s12+$0x10CD0] =	vst v1  }
0x98: {  	[tilespmem:s12+$0x10CE0] =	vst v1  }
0x99: {  	[tilespmem:s12+$0x10CF0] =	vst v1  }
0x9a: {  	[tilespmem:s12+$0x10D00] =	vst v1  }
0x9b: {  	[tilespmem:s12+$0x10D10] =	vst v1  }
.Ltmp4:
0x9c: {  	[tilespmem:s12+$0x10D20] =	vst v1;
	(pc) =	sbr.rel @p0 .LBB2_10-.Ltmp4, $4  }
0x9d: {  	[tilespmem:s12+$0x10D30] =	vst v1  }
0x9e: {  	[tilespmem:s12+$0x10D40] =	vst v1  }
0x9f: {  	[tilespmem:s12+$0x10D50] =	vst v1  }
0xa0: {  	[tilespmem:s12+$0x10D60] =	vst v1;
	s12 =	sshra.s32 s13, $0x2;
	s13 =	sadd.s32 $0x400, s13  }
0xa1: {  	[tilespmem:s12+$0x10D70] =	vst v1  }
0xa2: {  	[tilespmem:s12+$0x10C80] =	vst v1  }
0xa3: {  	[tilespmem:s12+$0x10C90] =	vst v1  }
0xa4: {  	[tilespmem:s12+$0x10CA0] =	vst v1  }
0xa5: {  	[tilespmem:s12+$0x10CB0] =	vst v1  }
0xa6: {  	[tilespmem:s12+$0x10CC0] =	vst v1  }
0xa7: {  	[tilespmem:s12+$0x10CD0] =	vst v1  }
0xa8: {  	[tilespmem:s12+$0x10CE0] =	vst v1  }
0xa9: {  	[tilespmem:s12+$0x10CF0] =	vst v1  }
0xaa: {  	[tilespmem:s12+$0x10D00] =	vst v1  }
0xab: {  	[tilespmem:s12+$0x10D10] =	vst v1  }
0xac: {  	[tilespmem:s12+$0x10D20] =	vst v1  }
0xad: {  	[tilespmem:s12+$0x10D30] =	vst v1  }
0xae: {  	[tilespmem:s12+$0x10D40] =	vst v1  }
0xaf: {  	[tilespmem:s12+$0x10D50] =	vst v1  }
0xb0: {  	[tilespmem:s12+$0x10D60] =	vst v1;
	s12 =	smov.u32 s7;
	s13 =	simm.s32 $0x0  }
.LBB2_12:
0xb1: {  	s8 =	sand.u32 $0xC0, s1  }
0xb2: {  	s8 =	sor.u32 s5, s8  }
0xb3: {  	v6 =	vld [tilespmem:s8+$0x200];
	_ =	sdelay $0x4  }
0xb4: {  	v6 =	vadd.s32 s13, v6  }
0xb5: {  	v6 =	vadd.s32 v0, v6;
	_ =	sdelay $0x4  }
0xb6: {  	[tilespmem:v6+s26+$0x0] =	vst.idx.msk $0xffff, v2  }
0xb7: {  	v6 =	vld [tilespmem:s12+$0xFFFFFFE0];
	_ =	sdelay $0x3  }
0xb8: {  	s18 =	sadd.s32 $0x800, s13  }
0xb9: {  	v6 =	vadd.s32 s18, v6  }
0xba: {  	v6 =	vadd.s32 v0, v6;
	_ =	sdelay $0x4  }
0xbb: {  	[tilespmem:v6+s26+$0x0] =	vst.idx.msk $0xffff, v2  }
0xbc: {  	v6 =	vld [tilespmem:s12+$0xFFFFFFF0];
	_ =	sdelay $0x3  }
0xbd: {  	s19 =	sadd.s32 $0x1000, s13  }
0xbe: {  	v6 =	vadd.s32 s19, v6  }
0xbf: {  	v6 =	vadd.s32 v0, v6;
	_ =	sdelay $0x4  }
0xc0: {  	[tilespmem:v6+s26+$0x0] =	vst.idx.msk $0xffff, v2  }
0xc1: {  	v6 =	vld [tilespmem:s12+$0x0];
	_ =	sdelay $0x3  }
0xc2: {  	s20 =	sadd.s32 $0x1800, s13  }
0xc3: {  	v6 =	vadd.s32 s20, v6  }
0xc4: {  	p0 =	sne.s32 s13, $0x6000;
	v6 =	vadd.s32 v0, v6  }
.Ltmp5:
0xc5: {  	_ = 	snop;
	(pc) =	sbr.rel @p0 .LBB2_12-.Ltmp5, $2  }
0xc6: {  	_ =	sdelay $0x2  }
0xc7: {  	s1 =	sadd.s32 $0x40, s1;
	s13 =	sadd.s32 $0x2000, s13;
	s12 =	sadd.s32 $0x40, s12;
	[tilespmem:v6+s26+$0x0] =	vst.idx.msk $0xffff, v2  }
0xc8: {  	s1 =	rddreg [dreg:$0x5];
	s20 =	smov.u32 s0  }
0xc9: {  	s17 =	smov.u32 s7;
	s8 =	rddreg [dreg:$0xc];
	s16 =	smov.u32 s9  }
0xca: {  	[hbm4b:s1+s3] =	stream.linear.scatter [tilespmem:s26], [sflag:$0x3], $0x8000, $0x38;
	[tilespmem:$0x18C80] =	vst v63  }
0xcb: {  	s18 =	rddreg [dreg:$0xb];
	s15 =	smov.u32 s11;
	s1 =	simm.s32 $0x1  }
.LBB2_14:
0xcc: {  	_ =	swait.ge [sflag:s28], $0x8000  }
0xcd: {  	s12 =	smul.u32 $0x30, s1;
	s13 =	simm.s32 $0x0;
	[sflag:s28] =	ssyncset.done $0x0  }
0xce: {  	s14 =	smov.u32 s15;
	s19 =	simm.s32 $0x0;
	[sflag:s28] =	ssyncadd.s32 $0xFFFF8000  }
.LBB2_15:
0xcf: {  	v6 =	vld [tilespmem:s14+$0xFFFFFFE0];
	_ =	sdelay $0x4  }
0xd0: {  	v6 =	vadd.s32 s19, v6  }
0xd1: {  	v6 =	vadd.s32 v0, v6;
	_ =	sdelay $0x4  }
0xd2: {  	[tilespmem:v6+s23+$0x0] =	vst.idx.msk $0xffff, v1  }
0xd3: {  	v6 =	vld [tilespmem:s14+$0xFFFFFFF0];
	_ =	sdelay $0x3  }
0xd4: {  	s10 =	sadd.s32 $0x800, s19  }
0xd5: {  	v6 =	vadd.s32 s10, v6  }
0xd6: {  	v6 =	vadd.s32 v0, v6;
	_ =	sdelay $0x4  }
0xd7: {  	[tilespmem:v6+s23+$0x0] =	vst.idx.msk $0xffff, v1  }
0xd8: {  	v6 =	vld [tilespmem:s14+$0x0];
	_ =	sdelay $0x3  }
0xd9: {  	s10 =	sadd.s32 $0x1000, s19  }
0xda: {  	v6 =	vadd.s32 s10, v6  }
0xdb: {  	v6 =	vadd.s32 v0, v6;
	_ =	sdelay $0x4  }
0xdc: {  	[tilespmem:v6+s23+$0x0] =	vst.idx.msk $0xffff, v1  }
0xdd: {  	v6 =	vld [tilespmem:s14+$0x10];
	_ =	sdelay $0x3  }
0xde: {  	s10 =	sadd.s32 $0x1800, s19  }
0xdf: {  	v6 =	vadd.s32 s10, v6  }
0xe0: {  	p0 =	sne.s32 s19, $0x6000;
	v6 =	vadd.s32 v0, v6  }
.Ltmp6:
0xe1: {  	_ = 	snop;
	(pc) =	sbr.rel @p0 .LBB2_15-.Ltmp6, $2  }
0xe2: {  	_ =	sdelay $0x2  }
0xe3: {  	s19 =	sadd.s32 $0x2000, s19;
	s14 =	sadd.s32 $0x40, s14;
	[tilespmem:v6+s23+$0x0] =	vst.idx.msk $0xffff, v1  }
0xe4: {  	s14 =	smov.u32 s18  }
.LBB2_17:
0xe5: {  	v6 =	vld [tilespmem:s14+$0xFFFFFFD0];
	_ =	sdelay $0x4  }
0xe6: {  	v6 =	vadd.s32 s13, v6  }
0xe7: {  	v6 =	vadd.s32 v0, v6;
	_ =	sdelay $0x4  }
0xe8: {  	[tilespmem:v6+s23+$0x0] =	vst.idx.msk $0xffff, v2  }
0xe9: {  	v6 =	vld [tilespmem:s14+$0xFFFFFFE0];
	_ =	sdelay $0x3  }
0xea: {  	s10 =	sadd.s32 $0x800, s13  }
0xeb: {  	v6 =	vadd.s32 s10, v6  }
0xec: {  	v6 =	vadd.s32 v0, v6;
	_ =	sdelay $0x4  }
0xed: {  	[tilespmem:v6+s23+$0x0] =	vst.idx.msk $0xffff, v2  }
0xee: {  	v6 =	vld [tilespmem:s14+$0xFFFFFFF0];
	_ =	sdelay $0x3  }
0xef: {  	s19 =	sadd.s32 $0x1000, s13  }
0xf0: {  	v6 =	vadd.s32 s19, v6  }
0xf1: {  	v6 =	vadd.s32 v0, v6;
	_ =	sdelay $0x4  }
0xf2: {  	[tilespmem:v6+s23+$0x0] =	vst.idx.msk $0xffff, v2  }
0xf3: {  	v6 =	vld [tilespmem:s14+$0x0];
	_ =	sdelay $0x3  }
0xf4: {  	s19 =	sadd.s32 $0x1800, s13  }
0xf5: {  	v6 =	vadd.s32 s19, v6  }
0xf6: {  	p0 =	sne.s32 s13, $0x6000;
	v6 =	vadd.s32 v0, v6  }
.Ltmp7:
0xf7: {  	_ = 	snop;
	(pc) =	sbr.rel @p0 .LBB2_17-.Ltmp7, $2  }
0xf8: {  	_ =	sdelay $0x2  }
0xf9: {  	s13 =	sadd.s32 $0x2000, s13;
	s14 =	sadd.s32 $0x40, s14;
	[tilespmem:v6+s23+$0x0] =	vst.idx.msk $0xffff, v2  }
0xfa: {  	s10 =	sadd.s32 s4, s12  }
0xfb: {  	s10 =	sshll.u32 s10, $0x8  }
0xfc: {  	s10 =	sand.u32 $0x1FFFFF00, s10  }
0xfd: {  	s13 =	simm.s32 $0x0;
	s10 =	sadd.s32 s2, s10  }
0xfe: {  	[hbm4b:s10+s13] =	stream.linear.scatter [tilespmem:s23], [sflag:$0x1], $0x8000, $0x38;
	[tilespmem:$0x18C80] =	vst v63  }
0xff: {  	_ =	swait.ge [sflag:s29], $0x8000  }
0x100: {  	[sflag:s29] =	ssyncset.done $0x0  }
0x101: {  	s14 =	smov.u32 s16;
	[sflag:s29] =	ssyncadd.s32 $0xFFFF8000  }
.LBB2_19:
0x102: {  	v6 =	vld [tilespmem:s14+$0xFFFFFFD0];
	_ =	sdelay $0x4  }
0x103: {  	v6 =	vadd.s32 s13, v6  }
0x104: {  	v6 =	vadd.s32 v0, v6;
	_ =	sdelay $0x4  }
0x105: {  	[tilespmem:v6+s24+$0x0] =	vst.idx.msk $0xffff, v1  }
0x106: {  	v6 =	vld [tilespmem:s14+$0xFFFFFFE0];
	_ =	sdelay $0x3  }
0x107: {  	s10 =	sadd.s32 $0x800, s13  }
0x108: {  	v6 =	vadd.s32 s10, v6  }
0x109: {  	v6 =	vadd.s32 v0, v6;
	_ =	sdelay $0x4  }
0x10a: {  	[tilespmem:v6+s24+$0x0] =	vst.idx.msk $0xffff, v1  }
0x10b: {  	v6 =	vld [tilespmem:s14+$0xFFFFFFF0];
	_ =	sdelay $0x3  }
0x10c: {  	s19 =	sadd.s32 $0x1000, s13  }
0x10d: {  	v6 =	vadd.s32 s19, v6  }
0x10e: {  	v6 =	vadd.s32 v0, v6;
	_ =	sdelay $0x4  }
0x10f: {  	[tilespmem:v6+s24+$0x0] =	vst.idx.msk $0xffff, v1  }
0x110: {  	v6 =	vld [tilespmem:s14+$0x0];
	_ =	sdelay $0x3  }
0x111: {  	s19 =	sadd.s32 $0x1800, s13  }
0x112: {  	v6 =	vadd.s32 s19, v6  }
0x113: {  	p0 =	sne.s32 s13, $0x6000;
	v6 =	vadd.s32 v0, v6  }
.Ltmp8:
0x114: {  	_ = 	snop;
	(pc) =	sbr.rel @p0 .LBB2_19-.Ltmp8, $2  }
0x115: {  	_ =	sdelay $0x2  }
0x116: {  	s13 =	sadd.s32 $0x2000, s13;
	s14 =	sadd.s32 $0x40, s14;
	[tilespmem:v6+s24+$0x0] =	vst.idx.msk $0xffff, v1  }
0x117: {  	s13 =	sadd.s32 $0x10, s12;
	s14 =	simm.s32 $0x0;
	s19 =	smov.u32 s8  }
.LBB2_21:
0x118: {  	v6 =	vld [tilespmem:s19+$0xFFFFFFD0];
	_ =	sdelay $0x4  }
0x119: {  	v6 =	vadd.s32 s14, v6  }
0x11a: {  	v6 =	vadd.s32 v0, v6;
	_ =	sdelay $0x4  }
0x11b: {  	[tilespmem:v6+s24+$0x0] =	vst.idx.msk $0xffff, v2  }
0x11c: {  	v6 =	vld [tilespmem:s19+$0xFFFFFFE0];
	_ =	sdelay $0x3  }
0x11d: {  	s10 =	sadd.s32 $0x800, s14  }
0x11e: {  	v6 =	vadd.s32 s10, v6  }
0x11f: {  	v6 =	vadd.s32 v0, v6;
	_ =	sdelay $0x4  }
0x120: {  	[tilespmem:v6+s24+$0x0] =	vst.idx.msk $0xffff, v2  }
0x121: {  	v6 =	vld [tilespmem:s19+$0xFFFFFFF0];
	_ =	sdelay $0x3  }
0x122: {  	s10 =	sadd.s32 $0x1000, s14  }
0x123: {  	v6 =	vadd.s32 s10, v6  }
0x124: {  	v6 =	vadd.s32 v0, v6;
	_ =	sdelay $0x4  }
0x125: {  	[tilespmem:v6+s24+$0x0] =	vst.idx.msk $0xffff, v2  }
0x126: {  	v6 =	vld [tilespmem:s19+$0x0];
	_ =	sdelay $0x3  }
0x127: {  	s10 =	sadd.s32 $0x1800, s14  }
0x128: {  	v6 =	vadd.s32 s10, v6  }
0x129: {  	p0 =	sne.s32 s14, $0x6000;
	v6 =	vadd.s32 v0, v6  }
.Ltmp9:
0x12a: {  	_ = 	snop;
	(pc) =	sbr.rel @p0 .LBB2_21-.Ltmp9, $2  }
0x12b: {  	_ =	sdelay $0x2  }
0x12c: {  	s14 =	sadd.s32 $0x2000, s14;
	s19 =	sadd.s32 $0x40, s19;
	[tilespmem:v6+s24+$0x0] =	vst.idx.msk $0xffff, v2  }
0x12d: {  	s10 =	sadd.s32 s4, s13  }
0x12e: {  	s10 =	sshll.u32 s10, $0x8  }
0x12f: {  	s10 =	sand.u32 $0x1FFFFF00, s10  }
0x130: {  	s13 =	simm.s32 $0x0;
	s10 =	sadd.s32 s2, s10  }
0x131: {  	[hbm4b:s10+s13] =	stream.linear.scatter [tilespmem:s24], [sflag:$0x2], $0x8000, $0x38;
	[tilespmem:$0x18C80] =	vst v63  }
0x132: {  	_ =	swait.ge [sflag:s30], $0x8000  }
0x133: {  	[sflag:s30] =	ssyncset.done $0x0  }
0x134: {  	s14 =	smov.u32 s17;
	[sflag:s30] =	ssyncadd.s32 $0xFFFF8000  }
.LBB2_23:
0x135: {  	v6 =	vld [tilespmem:s14+$0xFFFFFFD0];
	_ =	sdelay $0x4  }
0x136: {  	v6 =	vadd.s32 s13, v6  }
0x137: {  	v6 =	vadd.s32 v0, v6;
	_ =	sdelay $0x4  }
0x138: {  	[tilespmem:v6+s26+$0x0] =	vst.idx.msk $0xffff, v1  }
0x139: {  	v6 =	vld [tilespmem:s14+$0xFFFFFFE0];
	_ =	sdelay $0x3  }
0x13a: {  	s10 =	sadd.s32 $0x800, s13  }
0x13b: {  	v6 =	vadd.s32 s10, v6  }
0x13c: {  	v6 =	vadd.s32 v0, v6;
	_ =	sdelay $0x4  }
0x13d: {  	[tilespmem:v6+s26+$0x0] =	vst.idx.msk $0xffff, v1  }
0x13e: {  	v6 =	vld [tilespmem:s14+$0xFFFFFFF0];
	_ =	sdelay $0x3  }
0x13f: {  	s19 =	sadd.s32 $0x1000, s13  }
0x140: {  	v6 =	vadd.s32 s19, v6  }
0x141: {  	v6 =	vadd.s32 v0, v6;
	_ =	sdelay $0x4  }
0x142: {  	[tilespmem:v6+s26+$0x0] =	vst.idx.msk $0xffff, v1  }
0x143: {  	v6 =	vld [tilespmem:s14+$0x0];
	_ =	sdelay $0x3  }
0x144: {  	s19 =	sadd.s32 $0x1800, s13  }
0x145: {  	v6 =	vadd.s32 s19, v6  }
0x146: {  	p0 =	sne.s32 s13, $0x6000;
	v6 =	vadd.s32 v0, v6  }
.Ltmp10:
0x147: {  	_ = 	snop;
	(pc) =	sbr.rel @p0 .LBB2_23-.Ltmp10, $2  }
0x148: {  	_ =	sdelay $0x2  }
0x149: {  	s13 =	sadd.s32 $0x2000, s13;
	s14 =	sadd.s32 $0x40, s14;
	[tilespmem:v6+s26+$0x0] =	vst.idx.msk $0xffff, v1  }
0x14a: {  	s12 =	sadd.s32 $0x20, s12;
	s13 =	simm.s32 $0x0;
	s14 =	smov.u32 s20  }
.LBB2_25:
0x14b: {  	v6 =	vld [tilespmem:s14+$0xFFFFFFD0];
	_ =	sdelay $0x4  }
0x14c: {  	v6 =	vadd.s32 s13, v6  }
0x14d: {  	v6 =	vadd.s32 v0, v6;
	_ =	sdelay $0x4  }
0x14e: {  	[tilespmem:v6+s26+$0x0] =	vst.idx.msk $0xffff, v2  }
0x14f: {  	v6 =	vld [tilespmem:s14+$0xFFFFFFE0];
	_ =	sdelay $0x3  }
0x150: {  	s10 =	sadd.s32 $0x800, s13  }
0x151: {  	v6 =	vadd.s32 s10, v6  }
0x152: {  	v6 =	vadd.s32 v0, v6;
	_ =	sdelay $0x4  }
0x153: {  	[tilespmem:v6+s26+$0x0] =	vst.idx.msk $0xffff, v2  }
0x154: {  	v6 =	vld [tilespmem:s14+$0xFFFFFFF0];
	_ =	sdelay $0x3  }
0x155: {  	s19 =	sadd.s32 $0x1000, s13  }
0x156: {  	v6 =	vadd.s32 s19, v6  }
0x157: {  	v6 =	vadd.s32 v0, v6;
	_ =	sdelay $0x4  }
0x158: {  	[tilespmem:v6+s26+$0x0] =	vst.idx.msk $0xffff, v2  }
0x159: {  	v6 =	vld [tilespmem:s14+$0x0];
	_ =	sdelay $0x3  }
0x15a: {  	s19 =	sadd.s32 $0x1800, s13  }
0x15b: {  	v6 =	vadd.s32 s19, v6  }
0x15c: {  	p0 =	sne.s32 s13, $0x6000;
	v6 =	vadd.s32 v0, v6  }
.Ltmp11:
0x15d: {  	_ = 	snop;
	(pc) =	sbr.rel @p0 .LBB2_25-.Ltmp11, $2  }
0x15e: {  	_ =	sdelay $0x2  }
0x15f: {  	s13 =	sadd.s32 $0x2000, s13;
	s14 =	sadd.s32 $0x40, s14;
	[tilespmem:v6+s26+$0x0] =	vst.idx.msk $0xffff, v2  }
0x160: {  	s1 =	sadd.s32 $0x1, s1  }
0x161: {  	p0 =	sne.s32 s1, $0x4  }
.Ltmp12:
0x162: {  	s10 =	sadd.s32 s4, s12;
	(pc) =	sbr.rel @p0 .LBB2_14-.Ltmp12, $4  }
0x163: {  	s15 =	sadd.s32 $0x300, s15;
	s18 =	sadd.s32 $0x300, s18;
	s10 =	sshll.u32 s10, $0x8  }
0x164: {  	s16 =	sadd.s32 $0x300, s16;
	s8 =	sadd.s32 $0x300, s8;
	s10 =	sand.u32 $0x1FFFFF00, s10  }
0x165: {  	s17 =	sadd.s32 $0x300, s17;
	s20 =	sadd.s32 $0x300, s20;
	s10 =	sadd.s32 s2, s10  }
0x166: {  	[hbm4b:s10+s3] =	stream.linear.scatter [tilespmem:s26], [sflag:$0x3], $0x8000, $0x38;
	[tilespmem:$0x18C80] =	vst v63  }
0x167: {  	_ =	swait.ge [sflag:s28], $0x8000  }
0x168: {  	s1 =	simm.s32 $0x0;
	[sflag:s28] =	ssyncset.done $0x0  }
0x169: {  	s12 =	smov.u32 s21;
	s13 =	simm.s32 $0x0;
	[sflag:s28] =	ssyncadd.s32 $0xFFFF8000  }
.LBB2_28:
0x16a: {  	s8 =	sand.u32 $0xC0, s1  }
0x16b: {  	s8 =	sor.u32 s5, s8  }
0x16c: {  	v6 =	vld [tilespmem:s8+$0x900];
	_ =	sdelay $0x4  }
0x16d: {  	v6 =	vadd.s32 s13, v6  }
0x16e: {  	v6 =	vadd.s32 v0, v6;
	_ =	sdelay $0x4  }
0x16f: {  	[tilespmem:v6+s23+$0x0] =	vst.idx.msk $0xffff, v1  }
0x170: {  	v6 =	vld [tilespmem:s12+$0xFFFFFFE0];
	_ =	sdelay $0x3  }
0x171: {  	s18 =	sadd.s32 $0x800, s13  }
0x172: {  	v6 =	vadd.s32 s18, v6  }
0x173: {  	v6 =	vadd.s32 v0, v6;
	_ =	sdelay $0x4  }
0x174: {  	[tilespmem:v6+s23+$0x0] =	vst.idx.msk $0xffff, v1  }
0x175: {  	v6 =	vld [tilespmem:s12+$0xFFFFFFF0];
	_ =	sdelay $0x3  }
0x176: {  	s19 =	sadd.s32 $0x1000, s13  }
0x177: {  	v6 =	vadd.s32 s19, v6  }
0x178: {  	v6 =	vadd.s32 v0, v6;
	_ =	sdelay $0x4  }
0x179: {  	[tilespmem:v6+s23+$0x0] =	vst.idx.msk $0xffff, v1  }
0x17a: {  	v6 =	vld [tilespmem:s12+$0x0];
	_ =	sdelay $0x3  }
0x17b: {  	s20 =	sadd.s32 $0x1800, s13  }
0x17c: {  	v6 =	vadd.s32 s20, v6  }
0x17d: {  	p0 =	sne.s32 s13, $0x6000;
	v6 =	vadd.s32 v0, v6  }
.Ltmp13:
0x17e: {  	_ = 	snop;
	(pc) =	sbr.rel @p0 .LBB2_28-.Ltmp13, $2  }
0x17f: {  	_ =	sdelay $0x2  }
0x180: {  	s1 =	sadd.s32 $0x40, s1;
	s13 =	sadd.s32 $0x2000, s13;
	s12 =	sadd.s32 $0x40, s12;
	[tilespmem:v6+s23+$0x0] =	vst.idx.msk $0xffff, v1  }
0x181: {  	v6 =	vld [tilespmem:s25+$0x0];
	_ =	sdelay $0x4  }
0x182: {  	v6 =	vadd.s32 v0, v6;
	_ =	sdelay $0x4  }
0x183: {  	s1 =	rddreg [dreg:$0x6];
	[tilespmem:v6+s23+$0x0] =	vst.idx.msk $0xffff, v2  }
0x184: {  	v6 =	vld [tilespmem:s1+$0xC00];
	_ =	sdelay $0x4  }
0x185: {  	v6 =	vadd.s32 v3, v6;
	_ =	sdelay $0x4  }
0x186: {  	s17 =	rddreg [dreg:$0x7];
	[tilespmem:v6+s23+$0x0] =	vst.idx.msk $0xffff, v2  }
0x187: {  	v6 =	vld [tilespmem:s17+$0xC00];
	_ =	sdelay $0x4  }
0x188: {  	v6 =	vadd.s32 v4, v6;
	_ =	sdelay $0x4  }
0x189: {  	s18 =	rddreg [dreg:$0x8];
	[tilespmem:v6+s23+$0x0] =	vst.idx.msk $0xffff, v2  }
0x18a: {  	v6 =	vld [tilespmem:s18+$0xC00];
	_ =	sdelay $0x4  }
0x18b: {  	v6 =	vadd.s32 v5, v6;
	_ =	sdelay $0x4  }
0x18c: {  	s19 =	rddreg [dreg:$0x9];
	[tilespmem:v6+s23+$0x0] =	vst.idx.msk $0xffff, v2  }
0x18d: {  	[hbm4b:s19+s3] =	stream.linear.scatter [tilespmem:s23], [sflag:$0x1], $0x2000, $0x38;
	[tilespmem:$0x18C80] =	vst v63  }
0x18e: {  	_ =	swait.ge [sflag:s29], $0x8000  }
0x18f: {  	[sflag:s29] =	ssyncset.done $0x0  }
0x190: {  	[sflag:s29] =	ssyncadd.s32 $0xFFFF8000  }
0x191: {  	_ =	swait.ge [sflag:s30], $0x8000  }
0x192: {  	[sflag:s30] =	ssyncset.done $0x0  }
0x193: {  	[sflag:s30] =	ssyncadd.s32 $0xFFFF8000  }
0x194: {  	_ =	swait.ge [sflag:s28], $0x2000  }
0x195: {  	s31 =	sadd.s32 $0x1, s31;
	s20 =	rddreg [dreg:$0xa]  }
0x196: {  	p0 =	sne.s32 s31, s20  }
.Ltmp14:
0x197: {  	_ = 	snop;
	(pc) =	sbr.rel @p0 .LBB2_1-.Ltmp14, $3  }
0x198: {  	_ =	sdelay $0x1  }
0x199: {  	[sflag:s28] =	ssyncset.done $0x0  }
0x19a: {  	[sflag:s28] =	ssyncadd.s32 $0xFFFFE000  }
0x19b: {  	_ =	sfence.sel $0x180000  }
0x19c: {  	[bflag:$0x0] =	sbarrier.arrive $0xFFFF  }
0x19d: {  	_ =	strace $0x90000047  }
0x19e: {  	s0 =	stileid.u32;
	[bflag:$0x2] =	sbarrier.arrive $0xFFFF  }
0x19f: {  	p0 =	sne.s32 s0, $0x0;
	s0 =	rddreg [dreg:$0x2]  }
0x1a0: {  	s0 =	sadd.s32 @!p0 $0x100000, s0  }
0x1a1: {  	[sflag:s0] =	ssyncadd.tile.s32 @!p0 $0x1;
	_ =	shalt  }
.Lfunc_end2:
_tile_overlayer_lowered:
.L_overlay_start_2:
0x1a2: {  	(tag) =	ssettag $0x2  }
0x1a3: {  	s0 =	rddreg [dreg:$0x0];
	s2 =	stileid.u32  }
0x1a4: {  	s1 =	rddreg [dreg:$0x1];
	p0 =	sne.s32 s2, $0x0  }
0x1a5: {  	s3 =	rddreg [dreg:$0x2];
	[bflag:$0x3] =	sbarrier.arrive $0xFFFF;
	s2 =	simm.s32 @!p0 $0x1C05  }
0x1a6: {  	[timem:s3], [sflag:s2] =	dma.local @!p0 [hbm:s0], s1  }
0x1a7: {  	s0 =	simm.s32 @!p0 $0x5  }
0x1a8: {  	_ =	swait.ge @!p0 [sflag:s0], s1  }
0x1a9: {  	s1 =	ssub.s32 @!p0 $0x0, s1;
	[sflag:s0] =	ssyncset.done @!p0 $0x0  }
0x1aa: {  	[sflag:s0] =	ssyncadd.s32 @!p0 s1  }
0x1ab: {  	[bflag:$0x3] =	sbarrier.arrive $0xFFFF  }
0x1ac: {  	_ =	shalt  }

</sc_bundles>
